<compile_context>
chip_gen: v7x
topology: tpu7x:2x2x1
jax: 0.10.2.dev20260603
libtpu: 0.0.44.dev20260713+nightly
codegen_flags: <defaults>
</compile_context>

<pallas_src>
import functools

import jax
import jax.numpy as jnp
from jax import lax
from jax.experimental import pallas as pl
from jax.experimental.pallas import tpu as pltpu
from jax.experimental.pallas import tpu_sc as plsc

N_NODES = 10000
N_EDGES = 320000
D = 128

NC = 2
NS = 16
K = 128
NCH = 160
EPT = NCH * K
E_PAD = NS * EPT
PAD_DST = 1 << 30
QROWS = 2560
NPAD = 4 * QROWS
ACC_ROWS = 2688
TRASH = QROWS
RPT = ACC_ROWS // NS
WPT = QROWS // NS
NVR = EPT // 16
NB = 2

_mesh = plsc.VectorSubcoreMesh(core_axis_name="c", subcore_axis_name="s")


@functools.partial(
    pl.kernel,
    out_type=jax.ShapeDtypeStruct((NPAD, D), jnp.float32),
    mesh=_mesh,
    scratch_types=[
        pltpu.VMEM((NCH, K), jnp.int32),
        pltpu.VMEM((NCH, K), jnp.int32),
        [pltpu.VMEM((K, D), jnp.float32) for _ in range(NB)],
        pltpu.VMEM_SHARED((ACC_ROWS, D), jnp.float32),
        [pltpu.SemaphoreType.DMA for _ in range(NB)],
        [pltpu.SemaphoreType.DMA for _ in range(NB)],
    ],
    compiler_params=pltpu.CompilerParams(use_tc_tiling_on_sc=False,
                                        needs_layout_passes=False),
)
def _sc_aggregate(x_hbm, src_hbm, dst_hbm, out_hbm,
                  src_raw, dst_raw, rows, acc, gsem, ssem):
    c = lax.axis_index("c")
    s = lax.axis_index("s")

    zero16 = jnp.zeros((16,), jnp.float32)
    zero16i = jnp.zeros((16,), jnp.int32)
    trash16 = jnp.full((16,), TRASH, jnp.int32)

    for t in range(2):
        q = NC * c + t
        base = q * QROWS
        basev = jnp.full((16,), base, jnp.int32)

        pltpu.sync_copy(src_hbm.at[s], src_raw)
        pltpu.sync_copy(dst_hbm.at[s], dst_raw)

        def _zrows_body(i, _):
            r = i // (D // 16)
            col = (i % (D // 16)) * 16
            rows[0][r, pl.ds(col, 16)] = zero16
            return 0

        lax.fori_loop(0, K * (D // 16), _zrows_body, 0)

        iota16 = jnp.arange(16, dtype=jnp.int32)
        one16 = jnp.full((16,), 1, jnp.int32)
        zero16i2 = jnp.zeros((16,), jnp.int32)
        _dn = lax.GatherDimensionNumbers(offset_dims=(),
                                         collapsed_slice_dims=(0,),
                                         start_index_map=(0,))

        def _lane_gather(v, idx):
            return lax.gather(v, idx[:, None], _dn, slice_sizes=(1,),
                              mode=lax.GatherScatterMode.PROMISE_IN_BOUNDS)

        def _comp_body(i, p):
            r = i // (K // 16)
            col = (i % (K // 16)) * 16
            vd = dst_raw[r, pl.ds(col, 16)]
            vs = src_raw[r, pl.ds(col, 16)]
            local = vd - basev
            m = (local >= 0) & (local < QROWS)
            ps = jnp.where(m, one16, zero16i2)
            for sh in (1, 2, 4, 8):
                shifted = _lane_gather(ps, jnp.maximum(iota16 - sh, 0))
                ps = ps + jnp.where(iota16 >= sh, shifted, zero16i2)
            pos = jnp.full((16,), p, jnp.int32) + ps - 1
            plsc.store_scatter(dst_raw, [pos >> 7, pos & 127], local, mask=m)
            plsc.store_scatter(src_raw, [pos >> 7, pos & 127], vs, mask=m)
            return p + ps[15]

        n = lax.fori_loop(0, NVR, _comp_body, jnp.int32(0))
        nch = (n + (K - 1)) // K
        fill_end = jnp.full((16,), nch * K, jnp.int32)
        cap16 = jnp.full((16,), EPT - 1, jnp.int32)
        for vi in range(8):
            pos2 = jnp.minimum(jnp.full((16,), n + vi * 16, jnp.int32)
                               + iota16, cap16)
            m2 = (jnp.full((16,), n + vi * 16, jnp.int32) + iota16) < fill_end
            plsc.store_scatter(dst_raw, [pos2 >> 7, pos2 & 127], trash16,
                               mask=m2)
            plsc.store_scatter(src_raw, [pos2 >> 7, pos2 & 127], zero16i,
                               mask=m2)

        pltpu.sync_copy(rows[0], acc.at[pl.ds(s * RPT, K)])
        pltpu.sync_copy(rows[0].at[pl.ds(0, RPT - K)],
                        acc.at[pl.ds(s * RPT + K, RPT - K)])
        plsc.subcore_barrier()

        for b in range(NB):
            @pl.when(b < nch)
            def _():
                pltpu.async_copy(x_hbm.at[src_raw.at[b]], rows[b], gsem[b])

        def _ring_body(i, _):
            j = i * NB
            for b in range(NB):
                @pl.when(j + b < nch)
                def _():
                    pltpu.make_async_copy(x_hbm.at[src_raw.at[j + b]],
                                          rows[b], gsem[b]).wait()
                    pltpu.async_copy(rows[b], acc.at[dst_raw.at[j + b]],
                                     ssem[b], add=True)
            for b in range(NB):
                @pl.when(j + b < nch)
                def _():
                    pltpu.make_async_copy(rows[b], acc.at[dst_raw.at[j + b]],
                                          ssem[b]).wait()

                    @pl.when(j + NB + b < nch)
                    def _():
                        pltpu.async_copy(x_hbm.at[src_raw.at[j + NB + b]],
                                         rows[b], gsem[b])

            return 0

        lax.fori_loop(0, (nch + (NB - 1)) // NB, _ring_body, 0)

        plsc.subcore_barrier()
        pltpu.sync_copy(acc.at[pl.ds(s * WPT, WPT)],
                        out_hbm.at[pl.ds(base + s * WPT, WPT)])
        plsc.subcore_barrier()


def _tc_body(a_ref, w_ref, b_ref, o_ref):
    y = lax.dot_general(a_ref[...], w_ref[...], (((1,), (1,)), ((), ())),
                        preferred_element_type=jnp.float32)
    o_ref[...] = jnp.maximum(y + b_ref[...], 0.0)


_ROWS_BLK = 1024
_tc_linear = pl.pallas_call(
    _tc_body,
    grid=(NPAD // _ROWS_BLK,),
    in_specs=[
        pl.BlockSpec((_ROWS_BLK, D), lambda i: (i, 0)),
        pl.BlockSpec((D, D), lambda i: (0, 0)),
        pl.BlockSpec((1, D), lambda i: (0, 0)),
    ],
    out_specs=pl.BlockSpec((_ROWS_BLK, D), lambda i: (i, 0)),
    out_shape=jax.ShapeDtypeStruct((NPAD, D), jnp.float32),
)


@jax.jit
def kernel(x, edge_index, W, b):
    src = edge_index[0].astype(jnp.int32)
    dst = edge_index[1].astype(jnp.int32)
    n_pad = E_PAD - N_EDGES
    src = jnp.concatenate([src, jnp.zeros((n_pad,), jnp.int32)])
    dst = jnp.concatenate([dst, jnp.full((n_pad,), PAD_DST, jnp.int32)])
    agg = _sc_aggregate(x, src.reshape(NS, NCH, K), dst.reshape(NS, NCH, K))
    return _tc_linear(agg, W, b.reshape(1, D))[:N_NODES]

# --- scband reference (transcript-rebuilt; emitter-appended) ---
"""Pipeline reference for scband-gcn-74955769249951 (READ-ONLY COPY).

The authoritative reference and input builder live on the scoring server;
editing this copy changes nothing except your own understanding.
"""

import jax, jax.numpy as jnp
import numpy as np

N_NODES = 10000
N_EDGES = 320000
D_IN = 128
D_OUT = 128


def setup_inputs(seed: int = 0) -> dict:
    key = jax.random.key(seed)
    k1, k2, k3, k4 = jax.random.split(key, 4)
    x = jax.random.normal(k1, (N_NODES, D_IN), dtype=jnp.float32)
    edge_index = jax.random.randint(k2, (2, N_EDGES), 0, N_NODES, dtype=jnp.int64)
    # Xavier-uniform init with relu gain, matching nn.init.xavier_uniform_(gain=sqrt(2))
    gain = float(np.sqrt(2.0))
    limit = gain * float(np.sqrt(6.0 / (D_IN + D_OUT)))
    W = jax.random.uniform(k3, (D_OUT, D_IN), minval=-limit, maxval=limit, dtype=jnp.float32)
    b = jax.random.uniform(k4, (D_OUT,), minval=-1.0 / np.sqrt(D_IN), maxval=1.0 / np.sqrt(D_IN), dtype=jnp.float32)
    return {"x": x, "edge_index": edge_index, "W": W, "b": b}


def reference(x, edge_index, W, b):
    # GCN_msg = copy_u('feat','message'); GCN_reduce = sum -> per-dst-node sum of src feats
    src = edge_index[0]
    dst = edge_index[1]
    msgs = jnp.take(x, src, axis=0)                      # gather (copy_u)
    agg = jax.ops.segment_sum(msgs, dst, num_segments=N_NODES)  # scatter-add reduce
    # NodeApplyModule: linear + relu
    h = agg @ W.T + b
    h = jax.nn.relu(h)
    return h

if __name__ == "__main__":
    import jax
    _d = setup_inputs()
    print(jax.jit(kernel)(*tuple(_d.values())))

</pallas_src>

<mosaic_0001>
#map = affine_map<(d0, d1) -> (0, 0)>
#map1 = affine_map<(d0, d1) -> (0, 0, 0)>
module attributes {stable_mosaic.version = 14 : i64} {
  func.func @_sc_aggregate(%arg0: i32, %arg1: i32, %arg2: memref<10000x128xf32, #tpu.memory_space<hbm>>, %arg3: memref<16x160x128xi32, #tpu.memory_space<hbm>>, %arg4: memref<16x160x128xi32, #tpu.memory_space<hbm>>, %arg5: memref<10240x128xf32, #tpu.memory_space<hbm>>, %arg6: memref<160x128xi32, #tpu.memory_space<vmem>>, %arg7: memref<160x128xi32, #tpu.memory_space<vmem>>, %arg8: memref<128x128xf32, #tpu.memory_space<vmem>>, %arg9: memref<128x128xf32, #tpu.memory_space<vmem>>, %arg10: memref<2688x128xf32, #tpu.memory_space<vmem_shared>>, %arg11: memref<!tpu.dma_semaphore, #tpu.memory_space<semaphore_mem>>, %arg12: memref<!tpu.dma_semaphore, #tpu.memory_space<semaphore_mem>>, %arg13: memref<!tpu.dma_semaphore, #tpu.memory_space<semaphore_mem>>, %arg14: memref<!tpu.dma_semaphore, #tpu.memory_space<semaphore_mem>>) attributes {dimension_semantics = [#tpu.dimension_semantics<core_parallel>, #tpu.dimension_semantics<subcore_parallel>], iteration_bounds = array<i64: 2, 16>, scalar_prefetch = 0 : i64, scratch_operands = 9 : i64, tpu.core_type = #tpu.core_type<sc_vector_subcore>, window_params = [{transform_indices = #map}, {transform_indices = #map1}, {transform_indices = #map1}, {transform_indices = #map}]} {
    %broadcast_in_dim3A = arith.constant 0.000000e+00 : f32
    %broadcast_in_dim3A_0 = vector.broadcast %broadcast_in_dim3A : f32 to vector<16xf32>
    %broadcast_in_dim3A_1 = arith.constant 0 : i32
    %broadcast_in_dim3A_2 = vector.broadcast %broadcast_in_dim3A_1 : i32 to vector<16xi32>
    %broadcast_in_dim3A_3 = arith.constant 2560 : i32
    %broadcast_in_dim3A_4 = vector.broadcast %broadcast_in_dim3A_3 : i32 to vector<16xi32>
    %mul3A = arith.constant 2 : i32
    %mul3A_5 = arith.muli %mul3A, %arg0 : i32
    %add3A = arith.constant 0 : i32
    %add3A_6 = arith.addi %mul3A_5, %add3A : i32
    %mul3A_7 = arith.constant 2560 : i32
    %mul3A_8 = arith.muli %add3A_6, %mul3A_7 : i32
    %broadcast_in_dim3A_9 = vector.broadcast %mul3A_8 : i32 to vector<16xi32>
    "tpu.region"() ({
      %run_scoped3A = tpu.sem_alloc : memref<!tpu.dma_semaphore, #tpu.memory_space<semaphore_mem>>
      %dma_start3A = arith.constant 0 : i32
      %dma_start3A_575 = arith.constant 0 : i32
      %dma_start3A_576 = tpu.memref_slice %arg3[%arg1, %dma_start3A, %dma_start3A_575] : memref<16x160x128xi32, #tpu.memory_space<hbm>> -> memref<1x160x128xi32, #tpu.memory_space<hbm>>
      %dma_start3A_577 = tpu.memref_squeeze %dma_start3A_576 : memref<1x160x128xi32, #tpu.memory_space<hbm>> -> memref<160x128xi32, #tpu.memory_space<hbm>>
      %dma_start3A_578 = arith.constant 0 : i32
      %dma_start3A_579 = arith.constant 0 : i32
      %dma_start3A_580 = tpu.memref_slice %arg3[%arg1, %dma_start3A_578, %dma_start3A_579] : memref<16x160x128xi32, #tpu.memory_space<hbm>> -> memref<1x160x128xi32, #tpu.memory_space<hbm>>
      %dma_start3A_581 = tpu.memref_squeeze %dma_start3A_580 : memref<1x160x128xi32, #tpu.memory_space<hbm>> -> memref<160x128xi32, #tpu.memory_space<hbm>>
      tpu.enqueue_dma source(%dma_start3A_581 : memref<160x128xi32, #tpu.memory_space<hbm>>) target(%arg6 : memref<160x128xi32, #tpu.memory_space<vmem>>) target_semaphore(%run_scoped3A : memref<!tpu.dma_semaphore, #tpu.memory_space<semaphore_mem>>)
      %dma_wait3A = arith.constant 0 : i32
      %dma_wait3A_582 = arith.constant 0 : i32
      %dma_wait3A_583 = tpu.memref_slice %arg3[%arg1, %dma_wait3A, %dma_wait3A_582] : memref<16x160x128xi32, #tpu.memory_space<hbm>> -> memref<1x160x128xi32, #tpu.memory_space<hbm>>
      %dma_wait3A_584 = tpu.memref_squeeze %dma_wait3A_583 : memref<1x160x128xi32, #tpu.memory_space<hbm>> -> memref<160x128xi32, #tpu.memory_space<hbm>>
      %dma_wait3A_585 = arith.constant 0 : i32
      %dma_wait3A_586 = arith.constant 0 : i32
      %dma_wait3A_587 = tpu.memref_slice %arg3[%arg1, %dma_wait3A_585, %dma_wait3A_586] : memref<16x160x128xi32, #tpu.memory_space<hbm>> -> memref<1x160x128xi32, #tpu.memory_space<hbm>>
      %dma_wait3A_588 = tpu.memref_squeeze %dma_wait3A_587 : memref<1x160x128xi32, #tpu.memory_space<hbm>> -> memref<160x128xi32, #tpu.memory_space<hbm>>
      tpu.wait_dma2 semaphore(%run_scoped3A : memref<!tpu.dma_semaphore, #tpu.memory_space<semaphore_mem>>) src(%dma_wait3A_588 : memref<160x128xi32, #tpu.memory_space<hbm>>) dst(%arg6 : memref<160x128xi32, #tpu.memory_space<vmem>>)
      tpu.yield
    }) : () -> ()
    "tpu.region"() ({
      %run_scoped3A = tpu.sem_alloc : memref<!tpu.dma_semaphore, #tpu.memory_space<semaphore_mem>>
      %dma_start3A = arith.constant 0 : i32
      %dma_start3A_575 = arith.constant 0 : i32
      %dma_start3A_576 = tpu.memref_slice %arg4[%arg1, %dma_start3A, %dma_start3A_575] : memref<16x160x128xi32, #tpu.memory_space<hbm>> -> memref<1x160x128xi32, #tpu.memory_space<hbm>>
      %dma_start3A_577 = tpu.memref_squeeze %dma_start3A_576 : memref<1x160x128xi32, #tpu.memory_space<hbm>> -> memref<160x128xi32, #tpu.memory_space<hbm>>
      %dma_start3A_578 = arith.constant 0 : i32
      %dma_start3A_579 = arith.constant 0 : i32
      %dma_start3A_580 = tpu.memref_slice %arg4[%arg1, %dma_start3A_578, %dma_start3A_579] : memref<16x160x128xi32, #tpu.memory_space<hbm>> -> memref<1x160x128xi32, #tpu.memory_space<hbm>>
      %dma_start3A_581 = tpu.memref_squeeze %dma_start3A_580 : memref<1x160x128xi32, #tpu.memory_space<hbm>> -> memref<160x128xi32, #tpu.memory_space<hbm>>
      tpu.enqueue_dma source(%dma_start3A_581 : memref<160x128xi32, #tpu.memory_space<hbm>>) target(%arg7 : memref<160x128xi32, #tpu.memory_space<vmem>>) target_semaphore(%run_scoped3A : memref<!tpu.dma_semaphore, #tpu.memory_space<semaphore_mem>>)
      %dma_wait3A = arith.constant 0 : i32
      %dma_wait3A_582 = arith.constant 0 : i32
      %dma_wait3A_583 = tpu.memref_slice %arg4[%arg1, %dma_wait3A, %dma_wait3A_582] : memref<16x160x128xi32, #tpu.memory_space<hbm>> -> memref<1x160x128xi32, #tpu.memory_space<hbm>>
      %dma_wait3A_584 = tpu.memref_squeeze %dma_wait3A_583 : memref<1x160x128xi32, #tpu.memory_space<hbm>> -> memref<160x128xi32, #tpu.memory_space<hbm>>
      %dma_wait3A_585 = arith.constant 0 : i32
      %dma_wait3A_586 = arith.constant 0 : i32
      %dma_wait3A_587 = tpu.memref_slice %arg4[%arg1, %dma_wait3A_585, %dma_wait3A_586] : memref<16x160x128xi32, #tpu.memory_space<hbm>> -> memref<1x160x128xi32, #tpu.memory_space<hbm>>
      %dma_wait3A_588 = tpu.memref_squeeze %dma_wait3A_587 : memref<1x160x128xi32, #tpu.memory_space<hbm>> -> memref<160x128xi32, #tpu.memory_space<hbm>>
      tpu.wait_dma2 semaphore(%run_scoped3A : memref<!tpu.dma_semaphore, #tpu.memory_space<semaphore_mem>>) src(%dma_wait3A_588 : memref<160x128xi32, #tpu.memory_space<hbm>>) dst(%arg7 : memref<160x128xi32, #tpu.memory_space<vmem>>)
      tpu.yield
    }) : () -> ()
    %scan3A = arith.constant 0 : i32
    %scan3A_10 = arith.constant 0 : i32
    %scan3A_11 = arith.constant 1024 : i32
    %scan3A_12 = arith.addi %scan3A_10, %scan3A_11 : i32
    %scan3A_13 = arith.constant 1 : i32
    %scan3A_14 = scf.for %scan3A_575 = %scan3A_10 to %scan3A_12 step %scan3A_13 iter_args(%scan3A_576 = %scan3A) -> (i32)  : i32 {
      %jit3A_577 = arith.constant 8 : i32
      %div3A_578 = arith.divsi %scan3A_575, %jit3A_577 : i32
      %sign3A_579 = arith.constant 0 : i32
      %sign3A_580 = arith.cmpi sgt, %scan3A_575, %sign3A_579 : i32
      %sign3A_581 = arith.extui %sign3A_580 : i1 to i32
      %sign3A_582 = arith.constant 0 : i32
      %sign3A_583 = arith.cmpi slt, %scan3A_575, %sign3A_582 : i32
      %sign3A_584 = arith.extui %sign3A_583 : i1 to i32
      %sign3A_585 = arith.subi %sign3A_581, %sign3A_584 : i32
      %sign3A_586 = arith.constant 0 : i32
      %sign3A_587 = arith.cmpi sgt, %jit3A_577, %sign3A_586 : i32
      %sign3A_588 = arith.extui %sign3A_587 : i1 to i32
      %sign3A_589 = arith.constant 0 : i32
      %sign3A_590 = arith.cmpi slt, %jit3A_577, %sign3A_589 : i32
      %sign3A_591 = arith.extui %sign3A_590 : i1 to i32
      %sign3A_592 = arith.subi %sign3A_588, %sign3A_591 : i32
      %ne3A_593 = arith.cmpi ne, %sign3A_585, %sign3A_592 : i32
      %rem3A_594 = arith.remsi %scan3A_575, %jit3A_577 : i32
      %ne3A_595 = arith.constant 0 : i32
      %ne3A_596 = arith.cmpi ne, %rem3A_594, %ne3A_595 : i32
      %and3A_597 = arith.andi %ne3A_593, %ne3A_596 : i1
      %sub3A_598 = arith.constant 1 : i32
      %sub3A_599 = arith.subi %div3A_578, %sub3A_598 : i32
      %select_n3A_600 = arith.select %and3A_597, %sub3A_599, %div3A_578 : i32
      %jit3A_601 = arith.constant 8 : i32
      %eq3A = arith.constant 0 : i32
      %eq3A_602 = arith.cmpi eq, %jit3A_601, %eq3A : i32
      %jit3A_603 = arith.constant 1 : i32
      %select_n3A_604 = arith.select %eq3A_602, %jit3A_603, %jit3A_601 : i32
      %rem3A_605 = arith.remsi %scan3A_575, %select_n3A_604 : i32
      %ne3A_606 = arith.constant 0 : i32
      %ne3A_607 = arith.cmpi ne, %rem3A_605, %ne3A_606 : i32
      %lt3A_608 = arith.constant 0 : i32
      %lt3A_609 = arith.cmpi slt, %rem3A_605, %lt3A_608 : i32
      %lt3A_610 = arith.constant 0 : i32
      %lt3A_611 = arith.cmpi slt, %select_n3A_604, %lt3A_610 : i32
      %ne3A_612 = arith.xori %lt3A_609, %lt3A_611 : i1
      %and3A_613 = arith.andi %ne3A_612, %ne3A_607 : i1
      %add3A_614 = arith.addi %rem3A_605, %select_n3A_604 : i32
      %select_n3A_615 = arith.select %and3A_613, %add3A_614, %rem3A_605 : i32
      %mul3A_616 = arith.constant 16 : i32
      %mul3A_617 = arith.muli %select_n3A_615, %mul3A_616 : i32
      %swap3A = arith.index_cast %select_n3A_600 : i32 to index
      %swap3A_618 = arith.index_cast %mul3A_617 : i32 to index
      %swap3A_619 = tpu.vector_load %arg8[%swap3A, %swap3A_618] {strides = array<i32>} : memref<128x128xf32, #tpu.memory_space<vmem>>, vector<16xf32>,
      tpu.vector_store %arg8[%swap3A, %swap3A_618], %broadcast_in_dim3A_0 {strides = array<i32>} : memref<128x128xf32, #tpu.memory_space<vmem>>, vector<16xf32>,
      %scan3A_620 = arith.constant 0 : i32
      scf.yield %scan3A_620 : i32
    }
    %scan3A_15 = arith.constant 1024 : i32
    %iota3A = tpu.iota {dimensions = array<i32: 0>} : vector<16xi32>
    %broadcast_in_dim3A_16 = arith.constant 1 : i32
    %broadcast_in_dim3A_17 = vector.broadcast %broadcast_in_dim3A_16 : i32 to vector<16xi32>
    %broadcast_in_dim3A_18 = arith.constant 0 : i32
    %broadcast_in_dim3A_19 = vector.broadcast %broadcast_in_dim3A_18 : i32 to vector<16xi32>
    %scan3A_20 = arith.constant 0 : i32
    %scan3A_21 = arith.constant 0 : i32
    %scan3A_22 = arith.constant 1280 : i32
    %scan3A_23 = arith.addi %scan3A_21, %scan3A_22 : i32
    %scan3A_24 = arith.constant 1 : i32
    %scan3A_25 = scf.for %scan3A_575 = %scan3A_21 to %scan3A_23 step %scan3A_24 iter_args(%scan3A_576 = %scan3A_20) -> (i32)  : i32 {
      %jit3A_577 = arith.constant 8 : i32
      %div3A_578 = arith.divsi %scan3A_575, %jit3A_577 : i32
      %sign3A_579 = arith.constant 0 : i32
      %sign3A_580 = arith.cmpi sgt, %scan3A_575, %sign3A_579 : i32
      %sign3A_581 = arith.extui %sign3A_580 : i1 to i32
      %sign3A_582 = arith.constant 0 : i32
      %sign3A_583 = arith.cmpi slt, %scan3A_575, %sign3A_582 : i32
      %sign3A_584 = arith.extui %sign3A_583 : i1 to i32
      %sign3A_585 = arith.subi %sign3A_581, %sign3A_584 : i32
      %sign3A_586 = arith.constant 0 : i32
      %sign3A_587 = arith.cmpi sgt, %jit3A_577, %sign3A_586 : i32
      %sign3A_588 = arith.extui %sign3A_587 : i1 to i32
      %sign3A_589 = arith.constant 0 : i32
      %sign3A_590 = arith.cmpi slt, %jit3A_577, %sign3A_589 : i32
      %sign3A_591 = arith.extui %sign3A_590 : i1 to i32
      %sign3A_592 = arith.subi %sign3A_588, %sign3A_591 : i32
      %ne3A_593 = arith.cmpi ne, %sign3A_585, %sign3A_592 : i32
      %rem3A_594 = arith.remsi %scan3A_575, %jit3A_577 : i32
      %ne3A_595 = arith.constant 0 : i32
      %ne3A_596 = arith.cmpi ne, %rem3A_594, %ne3A_595 : i32
      %and3A_597 = arith.andi %ne3A_593, %ne3A_596 : i1
      %sub3A_598 = arith.constant 1 : i32
      %sub3A_599 = arith.subi %div3A_578, %sub3A_598 : i32
      %select_n3A_600 = arith.select %and3A_597, %sub3A_599, %div3A_578 : i32
      %jit3A_601 = arith.constant 8 : i32
      %eq3A = arith.constant 0 : i32
      %eq3A_602 = arith.cmpi eq, %jit3A_601, %eq3A : i32
      %jit3A_603 = arith.constant 1 : i32
      %select_n3A_604 = arith.select %eq3A_602, %jit3A_603, %jit3A_601 : i32
      %rem3A_605 = arith.remsi %scan3A_575, %select_n3A_604 : i32
      %ne3A_606 = arith.constant 0 : i32
      %ne3A_607 = arith.cmpi ne, %rem3A_605, %ne3A_606 : i32
      %lt3A_608 = arith.constant 0 : i32
      %lt3A_609 = arith.cmpi slt, %rem3A_605, %lt3A_608 : i32
      %lt3A_610 = arith.constant 0 : i32
      %lt3A_611 = arith.cmpi slt, %select_n3A_604, %lt3A_610 : i32
      %ne3A_612 = arith.xori %lt3A_609, %lt3A_611 : i1
      %and3A_613 = arith.andi %ne3A_612, %ne3A_607 : i1
      %add3A_614 = arith.addi %rem3A_605, %select_n3A_604 : i32
      %select_n3A_615 = arith.select %and3A_613, %add3A_614, %rem3A_605 : i32
      %mul3A_616 = arith.constant 16 : i32
      %mul3A_617 = arith.muli %select_n3A_615, %mul3A_616 : i32
      %get3A = arith.index_cast %select_n3A_600 : i32 to index
      %get3A_618 = arith.index_cast %mul3A_617 : i32 to index
      %get3A_619 = tpu.vector_load %arg7[%get3A, %get3A_618] {strides = array<i32>} : memref<160x128xi32, #tpu.memory_space<vmem>>, vector<16xi32>,
      %get3A_620 = arith.index_cast %select_n3A_600 : i32 to index
      %get3A_621 = arith.index_cast %mul3A_617 : i32 to index
      %get3A_622 = tpu.vector_load %arg6[%get3A_620, %get3A_621] {strides = array<i32>} : memref<160x128xi32, #tpu.memory_space<vmem>>, vector<16xi32>,
      %sub3A_623 = arith.subi %get3A_619, %broadcast_in_dim3A_9 : vector<16xi32>
      %ge3A = arith.constant 0 : i32
      %ge3A_624 = vector.broadcast %ge3A : i32 to vector<16xi32>
      %ge3A_625 = arith.cmpi sge, %sub3A_623, %ge3A_624 : vector<16xi32>
      %lt3A_626 = arith.constant 2560 : i32
      %lt3A_627 = vector.broadcast %lt3A_626 : i32 to vector<16xi32>
      %lt3A_628 = arith.cmpi slt, %sub3A_623, %lt3A_627 : vector<16xi32>
      %and3A_629 = arith.andi %ge3A_625, %lt3A_628 : vector<16xi1>
      %select_n3A_630 = arith.select %and3A_629, %broadcast_in_dim3A_17, %broadcast_in_dim3A_19 : vector<16xi1>, vector<16xi32>
      %sub3A_631 = arith.constant 1 : i32
      %sub3A_632 = vector.broadcast %sub3A_631 : i32 to vector<16xi32>
      %sub3A_633 = arith.subi %iota3A, %sub3A_632 : vector<16xi32>
      %max3A = arith.constant 0 : i32
      %max3A_634 = vector.broadcast %max3A : i32 to vector<16xi32>
      %max3A_635 = arith.maxsi %sub3A_633, %max3A_634 : vector<16xi32>
      %broadcast_in_dim3A_636 = vector.shape_cast %max3A_635 : vector<16xi32> to vector<16x1xi32>
      %gather3A = vector.shape_cast %broadcast_in_dim3A_636 : vector<16x1xi32> to vector<16xi32>
      %gather3A_637 = tpu.dynamic_gather %select_n3A_630[%gather3A] in [0] : vector<16xi32>, vector<16xi32> -> vector<16xi32>
      %ge3A_638 = arith.constant 1 : i32
      %ge3A_639 = vector.broadcast %ge3A_638 : i32 to vector<16xi32>
      %ge3A_640 = arith.cmpi sge, %iota3A, %ge3A_639 : vector<16xi32>
      %select_n3A_641 = arith.select %ge3A_640, %gather3A_637, %broadcast_in_dim3A_19 : vector<16xi1>, vector<16xi32>
      %add3A_642 = arith.addi %select_n3A_630, %select_n3A_641 : vector<16xi32>
      %sub3A_643 = arith.constant 2 : i32
      %sub3A_644 = vector.broadcast %sub3A_643 : i32 to vector<16xi32>
      %sub3A_645 = arith.subi %iota3A, %sub3A_644 : vector<16xi32>
      %max3A_646 = arith.constant 0 : i32
      %max3A_647 = vector.broadcast %max3A_646 : i32 to vector<16xi32>
      %max3A_648 = arith.maxsi %sub3A_645, %max3A_647 : vector<16xi32>
      %broadcast_in_dim3A_649 = vector.shape_cast %max3A_648 : vector<16xi32> to vector<16x1xi32>
      %gather3A_650 = vector.shape_cast %broadcast_in_dim3A_649 : vector<16x1xi32> to vector<16xi32>
      %gather3A_651 = tpu.dynamic_gather %add3A_642[%gather3A_650] in [0] : vector<16xi32>, vector<16xi32> -> vector<16xi32>
      %ge3A_652 = arith.constant 2 : i32
      %ge3A_653 = vector.broadcast %ge3A_652 : i32 to vector<16xi32>
      %ge3A_654 = arith.cmpi sge, %iota3A, %ge3A_653 : vector<16xi32>
      %select_n3A_655 = arith.select %ge3A_654, %gather3A_651, %broadcast_in_dim3A_19 : vector<16xi1>, vector<16xi32>
      %add3A_656 = arith.addi %add3A_642, %select_n3A_655 : vector<16xi32>
      %sub3A_657 = arith.constant 4 : i32
      %sub3A_658 = vector.broadcast %sub3A_657 : i32 to vector<16xi32>
      %sub3A_659 = arith.subi %iota3A, %sub3A_658 : vector<16xi32>
      %max3A_660 = arith.constant 0 : i32
      %max3A_661 = vector.broadcast %max3A_660 : i32 to vector<16xi32>
      %max3A_662 = arith.maxsi %sub3A_659, %max3A_661 : vector<16xi32>
      %broadcast_in_dim3A_663 = vector.shape_cast %max3A_662 : vector<16xi32> to vector<16x1xi32>
      %gather3A_664 = vector.shape_cast %broadcast_in_dim3A_663 : vector<16x1xi32> to vector<16xi32>
      %gather3A_665 = tpu.dynamic_gather %add3A_656[%gather3A_664] in [0] : vector<16xi32>, vector<16xi32> -> vector<16xi32>
      %ge3A_666 = arith.constant 4 : i32
      %ge3A_667 = vector.broadcast %ge3A_666 : i32 to vector<16xi32>
      %ge3A_668 = arith.cmpi sge, %iota3A, %ge3A_667 : vector<16xi32>
      %select_n3A_669 = arith.select %ge3A_668, %gather3A_665, %broadcast_in_dim3A_19 : vector<16xi1>, vector<16xi32>
      %add3A_670 = arith.addi %add3A_656, %select_n3A_669 : vector<16xi32>
      %sub3A_671 = arith.constant 8 : i32
      %sub3A_672 = vector.broadcast %sub3A_671 : i32 to vector<16xi32>
      %sub3A_673 = arith.subi %iota3A, %sub3A_672 : vector<16xi32>
      %max3A_674 = arith.constant 0 : i32
      %max3A_675 = vector.broadcast %max3A_674 : i32 to vector<16xi32>
      %max3A_676 = arith.maxsi %sub3A_673, %max3A_675 : vector<16xi32>
      %broadcast_in_dim3A_677 = vector.shape_cast %max3A_676 : vector<16xi32> to vector<16x1xi32>
      %gather3A_678 = vector.shape_cast %broadcast_in_dim3A_677 : vector<16x1xi32> to vector<16xi32>
      %gather3A_679 = tpu.dynamic_gather %add3A_670[%gather3A_678] in [0] : vector<16xi32>, vector<16xi32> -> vector<16xi32>
      %ge3A_680 = arith.constant 8 : i32
      %ge3A_681 = vector.broadcast %ge3A_680 : i32 to vector<16xi32>
      %ge3A_682 = arith.cmpi sge, %iota3A, %ge3A_681 : vector<16xi32>
      %select_n3A_683 = arith.select %ge3A_682, %gather3A_679, %broadcast_in_dim3A_19 : vector<16xi1>, vector<16xi32>
      %add3A_684 = arith.addi %add3A_670, %select_n3A_683 : vector<16xi32>
      %broadcast_in_dim3A_685 = vector.broadcast %scan3A_576 : i32 to vector<16xi32>
      %add3A_686 = arith.addi %broadcast_in_dim3A_685, %add3A_684 : vector<16xi32>
      %sub3A_687 = arith.constant 1 : i32
      %sub3A_688 = vector.broadcast %sub3A_687 : i32 to vector<16xi32>
      %sub3A_689 = arith.subi %add3A_686, %sub3A_688 : vector<16xi32>
      %shift_right_arithmetic3A_690 = arith.constant 7 : i32
      %shift_right_arithmetic3A_691 = vector.broadcast %shift_right_arithmetic3A_690 : i32 to vector<16xi32>
      %shift_right_arithmetic3A_692 = arith.shrsi %sub3A_689, %shift_right_arithmetic3A_691 : vector<16xi32>
      %and3A_693 = arith.constant 127 : i32
      %and3A_694 = vector.broadcast %and3A_693 : i32 to vector<16xi32>
      %and3A_695 = arith.andi %sub3A_689, %and3A_694 : vector<16xi32>
      tpu.vector_store_idx %arg7[%shift_right_arithmetic3A_692, %and3A_695], %sub3A_623 masked %and3A_629 : memref<160x128xi32, #tpu.memory_space<vmem>>[vector<16xi32>, vector<16xi32>], vector<16xi32>, vector<16xi1>
      %shift_right_arithmetic3A_696 = arith.constant 7 : i32
      %shift_right_arithmetic3A_697 = vector.broadcast %shift_right_arithmetic3A_696 : i32 to vector<16xi32>
      %shift_right_arithmetic3A_698 = arith.shrsi %sub3A_689, %shift_right_arithmetic3A_697 : vector<16xi32>
      %and3A_699 = arith.constant 127 : i32
      %and3A_700 = vector.broadcast %and3A_699 : i32 to vector<16xi32>
      %and3A_701 = arith.andi %sub3A_689, %and3A_700 : vector<16xi32>
      tpu.vector_store_idx %arg6[%shift_right_arithmetic3A_698, %and3A_701], %get3A_622 masked %and3A_629 : memref<160x128xi32, #tpu.memory_space<vmem>>[vector<16xi32>, vector<16xi32>], vector<16xi32>, vector<16xi1>
      %slice3A = vector.extract_strided_slice %add3A_684 {offsets = [15], sizes = [1], strides = [1]} : vector<16xi32> to vector<1xi32>
      %squeeze3A = vector.extract %slice3A[0] : i32 from vector<1xi32>
      %add3A_702 = arith.addi %scan3A_576, %squeeze3A : i32
      scf.yield %add3A_702 : i32
    }
    %scan3A_26 = arith.constant 1280 : i32
    %add3A_27 = arith.constant 127 : i32
    %add3A_28 = arith.addi %scan3A_25, %add3A_27 : i32
    %jit3A = arith.constant 128 : i32
    %div3A = arith.divsi %add3A_28, %jit3A : i32
    %sign3A = arith.constant 0 : i32
    %sign3A_29 = arith.cmpi sgt, %add3A_28, %sign3A : i32
    %sign3A_30 = arith.extui %sign3A_29 : i1 to i32
    %sign3A_31 = arith.constant 0 : i32
    %sign3A_32 = arith.cmpi slt, %add3A_28, %sign3A_31 : i32
    %sign3A_33 = arith.extui %sign3A_32 : i1 to i32
    %sign3A_34 = arith.subi %sign3A_30, %sign3A_33 : i32
    %sign3A_35 = arith.constant 0 : i32
    %sign3A_36 = arith.cmpi sgt, %jit3A, %sign3A_35 : i32
    %sign3A_37 = arith.extui %sign3A_36 : i1 to i32
    %sign3A_38 = arith.constant 0 : i32
    %sign3A_39 = arith.cmpi slt, %jit3A, %sign3A_38 : i32
    %sign3A_40 = arith.extui %sign3A_39 : i1 to i32
    %sign3A_41 = arith.subi %sign3A_37, %sign3A_40 : i32
    %ne3A = arith.cmpi ne, %sign3A_34, %sign3A_41 : i32
    %rem3A = arith.remsi %add3A_28, %jit3A : i32
    %ne3A_42 = arith.constant 0 : i32
    %ne3A_43 = arith.cmpi ne, %rem3A, %ne3A_42 : i32
    %and3A = arith.andi %ne3A, %ne3A_43 : i1
    %sub3A = arith.constant 1 : i32
    %sub3A_44 = arith.subi %div3A, %sub3A : i32
    %select_n3A = arith.select %and3A, %sub3A_44, %div3A : i32
    %mul3A_45 = arith.constant 128 : i32
    %mul3A_46 = arith.muli %select_n3A, %mul3A_45 : i32
    %broadcast_in_dim3A_47 = vector.broadcast %mul3A_46 : i32 to vector<16xi32>
    %broadcast_in_dim3A_48 = arith.constant 20479 : i32
    %broadcast_in_dim3A_49 = vector.broadcast %broadcast_in_dim3A_48 : i32 to vector<16xi32>
    %add3A_50 = arith.constant 0 : i32
    %add3A_51 = arith.addi %scan3A_25, %add3A_50 : i32
    %broadcast_in_dim3A_52 = vector.broadcast %add3A_51 : i32 to vector<16xi32>
    %add3A_53 = arith.addi %broadcast_in_dim3A_52, %iota3A : vector<16xi32>
    %min3A = arith.minsi %add3A_53, %broadcast_in_dim3A_49 : vector<16xi32>
    %add3A_54 = arith.constant 0 : i32
    %add3A_55 = arith.addi %scan3A_25, %add3A_54 : i32
    %broadcast_in_dim3A_56 = vector.broadcast %add3A_55 : i32 to vector<16xi32>
    %add3A_57 = arith.addi %broadcast_in_dim3A_56, %iota3A : vector<16xi32>
    %lt3A = arith.cmpi slt, %add3A_57, %broadcast_in_dim3A_47 : vector<16xi32>
    %shift_right_arithmetic3A = arith.constant 7 : i32
    %shift_right_arithmetic3A_58 = vector.broadcast %shift_right_arithmetic3A : i32 to vector<16xi32>
    %shift_right_arithmetic3A_59 = arith.shrsi %min3A, %shift_right_arithmetic3A_58 : vector<16xi32>
    %and3A_60 = arith.constant 127 : i32
    %and3A_61 = vector.broadcast %and3A_60 : i32 to vector<16xi32>
    %and3A_62 = arith.andi %min3A, %and3A_61 : vector<16xi32>
    tpu.vector_store_idx %arg7[%shift_right_arithmetic3A_59, %and3A_62], %broadcast_in_dim3A_4 masked %lt3A : memref<160x128xi32, #tpu.memory_space<vmem>>[vector<16xi32>, vector<16xi32>], vector<16xi32>, vector<16xi1>
    %shift_right_arithmetic3A_63 = arith.constant 7 : i32
    %shift_right_arithmetic3A_64 = vector.broadcast %shift_right_arithmetic3A_63 : i32 to vector<16xi32>
    %shift_right_arithmetic3A_65 = arith.shrsi %min3A, %shift_right_arithmetic3A_64 : vector<16xi32>
    %and3A_66 = arith.constant 127 : i32
    %and3A_67 = vector.broadcast %and3A_66 : i32 to vector<16xi32>
    %and3A_68 = arith.andi %min3A, %and3A_67 : vector<16xi32>
    tpu.vector_store_idx %arg6[%shift_right_arithmetic3A_65, %and3A_68], %broadcast_in_dim3A_2 masked %lt3A : memref<160x128xi32, #tpu.memory_space<vmem>>[vector<16xi32>, vector<16xi32>], vector<16xi32>, vector<16xi1>
    %add3A_69 = arith.constant 16 : i32
    %add3A_70 = arith.addi %scan3A_25, %add3A_69 : i32
    %broadcast_in_dim3A_71 = vector.broadcast %add3A_70 : i32 to vector<16xi32>
    %add3A_72 = arith.addi %broadcast_in_dim3A_71, %iota3A : vector<16xi32>
    %min3A_73 = arith.minsi %add3A_72, %broadcast_in_dim3A_49 : vector<16xi32>
    %add3A_74 = arith.constant 16 : i32
    %add3A_75 = arith.addi %scan3A_25, %add3A_74 : i32
    %broadcast_in_dim3A_76 = vector.broadcast %add3A_75 : i32 to vector<16xi32>
    %add3A_77 = arith.addi %broadcast_in_dim3A_76, %iota3A : vector<16xi32>
    %lt3A_78 = arith.cmpi slt, %add3A_77, %broadcast_in_dim3A_47 : vector<16xi32>
    %shift_right_arithmetic3A_79 = arith.constant 7 : i32
    %shift_right_arithmetic3A_80 = vector.broadcast %shift_right_arithmetic3A_79 : i32 to vector<16xi32>
    %shift_right_arithmetic3A_81 = arith.shrsi %min3A_73, %shift_right_arithmetic3A_80 : vector<16xi32>
    %and3A_82 = arith.constant 127 : i32
    %and3A_83 = vector.broadcast %and3A_82 : i32 to vector<16xi32>
    %and3A_84 = arith.andi %min3A_73, %and3A_83 : vector<16xi32>
    tpu.vector_store_idx %arg7[%shift_right_arithmetic3A_81, %and3A_84], %broadcast_in_dim3A_4 masked %lt3A_78 : memref<160x128xi32, #tpu.memory_space<vmem>>[vector<16xi32>, vector<16xi32>], vector<16xi32>, vector<16xi1>
    %shift_right_arithmetic3A_85 = arith.constant 7 : i32
    %shift_right_arithmetic3A_86 = vector.broadcast %shift_right_arithmetic3A_85 : i32 to vector<16xi32>
    %shift_right_arithmetic3A_87 = arith.shrsi %min3A_73, %shift_right_arithmetic3A_86 : vector<16xi32>
    %and3A_88 = arith.constant 127 : i32
    %and3A_89 = vector.broadcast %and3A_88 : i32 to vector<16xi32>
    %and3A_90 = arith.andi %min3A_73, %and3A_89 : vector<16xi32>
    tpu.vector_store_idx %arg6[%shift_right_arithmetic3A_87, %and3A_90], %broadcast_in_dim3A_2 masked %lt3A_78 : memref<160x128xi32, #tpu.memory_space<vmem>>[vector<16xi32>, vector<16xi32>], vector<16xi32>, vector<16xi1>
    %add3A_91 = arith.constant 32 : i32
    %add3A_92 = arith.addi %scan3A_25, %add3A_91 : i32
    %broadcast_in_dim3A_93 = vector.broadcast %add3A_92 : i32 to vector<16xi32>
    %add3A_94 = arith.addi %broadcast_in_dim3A_93, %iota3A : vector<16xi32>
    %min3A_95 = arith.minsi %add3A_94, %broadcast_in_dim3A_49 : vector<16xi32>
    %add3A_96 = arith.constant 32 : i32
    %add3A_97 = arith.addi %scan3A_25, %add3A_96 : i32
    %broadcast_in_dim3A_98 = vector.broadcast %add3A_97 : i32 to vector<16xi32>
    %add3A_99 = arith.addi %broadcast_in_dim3A_98, %iota3A : vector<16xi32>
    %lt3A_100 = arith.cmpi slt, %add3A_99, %broadcast_in_dim3A_47 : vector<16xi32>
    %shift_right_arithmetic3A_101 = arith.constant 7 : i32
    %shift_right_arithmetic3A_102 = vector.broadcast %shift_right_arithmetic3A_101 : i32 to vector<16xi32>
    %shift_right_arithmetic3A_103 = arith.shrsi %min3A_95, %shift_right_arithmetic3A_102 : vector<16xi32>
    %and3A_104 = arith.constant 127 : i32
    %and3A_105 = vector.broadcast %and3A_104 : i32 to vector<16xi32>
    %and3A_106 = arith.andi %min3A_95, %and3A_105 : vector<16xi32>
    tpu.vector_store_idx %arg7[%shift_right_arithmetic3A_103, %and3A_106], %broadcast_in_dim3A_4 masked %lt3A_100 : memref<160x128xi32, #tpu.memory_space<vmem>>[vector<16xi32>, vector<16xi32>], vector<16xi32>, vector<16xi1>
    %shift_right_arithmetic3A_107 = arith.constant 7 : i32
    %shift_right_arithmetic3A_108 = vector.broadcast %shift_right_arithmetic3A_107 : i32 to vector<16xi32>
    %shift_right_arithmetic3A_109 = arith.shrsi %min3A_95, %shift_right_arithmetic3A_108 : vector<16xi32>
    %and3A_110 = arith.constant 127 : i32
    %and3A_111 = vector.broadcast %and3A_110 : i32 to vector<16xi32>
    %and3A_112 = arith.andi %min3A_95, %and3A_111 : vector<16xi32>
    tpu.vector_store_idx %arg6[%shift_right_arithmetic3A_109, %and3A_112], %broadcast_in_dim3A_2 masked %lt3A_100 : memref<160x128xi32, #tpu.memory_space<vmem>>[vector<16xi32>, vector<16xi32>], vector<16xi32>, vector<16xi1>
    %add3A_113 = arith.constant 48 : i32
    %add3A_114 = arith.addi %scan3A_25, %add3A_113 : i32
    %broadcast_in_dim3A_115 = vector.broadcast %add3A_114 : i32 to vector<16xi32>
    %add3A_116 = arith.addi %broadcast_in_dim3A_115, %iota3A : vector<16xi32>
    %min3A_117 = arith.minsi %add3A_116, %broadcast_in_dim3A_49 : vector<16xi32>
    %add3A_118 = arith.constant 48 : i32
    %add3A_119 = arith.addi %scan3A_25, %add3A_118 : i32
    %broadcast_in_dim3A_120 = vector.broadcast %add3A_119 : i32 to vector<16xi32>
    %add3A_121 = arith.addi %broadcast_in_dim3A_120, %iota3A : vector<16xi32>
    %lt3A_122 = arith.cmpi slt, %add3A_121, %broadcast_in_dim3A_47 : vector<16xi32>
    %shift_right_arithmetic3A_123 = arith.constant 7 : i32
    %shift_right_arithmetic3A_124 = vector.broadcast %shift_right_arithmetic3A_123 : i32 to vector<16xi32>
    %shift_right_arithmetic3A_125 = arith.shrsi %min3A_117, %shift_right_arithmetic3A_124 : vector<16xi32>
    %and3A_126 = arith.constant 127 : i32
    %and3A_127 = vector.broadcast %and3A_126 : i32 to vector<16xi32>
    %and3A_128 = arith.andi %min3A_117, %and3A_127 : vector<16xi32>
    tpu.vector_store_idx %arg7[%shift_right_arithmetic3A_125, %and3A_128], %broadcast_in_dim3A_4 masked %lt3A_122 : memref<160x128xi32, #tpu.memory_space<vmem>>[vector<16xi32>, vector<16xi32>], vector<16xi32>, vector<16xi1>
    %shift_right_arithmetic3A_129 = arith.constant 7 : i32
    %shift_right_arithmetic3A_130 = vector.broadcast %shift_right_arithmetic3A_129 : i32 to vector<16xi32>
    %shift_right_arithmetic3A_131 = arith.shrsi %min3A_117, %shift_right_arithmetic3A_130 : vector<16xi32>
    %and3A_132 = arith.constant 127 : i32
    %and3A_133 = vector.broadcast %and3A_132 : i32 to vector<16xi32>
    %and3A_134 = arith.andi %min3A_117, %and3A_133 : vector<16xi32>
    tpu.vector_store_idx %arg6[%shift_right_arithmetic3A_131, %and3A_134], %broadcast_in_dim3A_2 masked %lt3A_122 : memref<160x128xi32, #tpu.memory_space<vmem>>[vector<16xi32>, vector<16xi32>], vector<16xi32>, vector<16xi1>
    %add3A_135 = arith.constant 64 : i32
    %add3A_136 = arith.addi %scan3A_25, %add3A_135 : i32
    %broadcast_in_dim3A_137 = vector.broadcast %add3A_136 : i32 to vector<16xi32>
    %add3A_138 = arith.addi %broadcast_in_dim3A_137, %iota3A : vector<16xi32>
    %min3A_139 = arith.minsi %add3A_138, %broadcast_in_dim3A_49 : vector<16xi32>
    %add3A_140 = arith.constant 64 : i32
    %add3A_141 = arith.addi %scan3A_25, %add3A_140 : i32
    %broadcast_in_dim3A_142 = vector.broadcast %add3A_141 : i32 to vector<16xi32>
    %add3A_143 = arith.addi %broadcast_in_dim3A_142, %iota3A : vector<16xi32>
    %lt3A_144 = arith.cmpi slt, %add3A_143, %broadcast_in_dim3A_47 : vector<16xi32>
    %shift_right_arithmetic3A_145 = arith.constant 7 : i32
    %shift_right_arithmetic3A_146 = vector.broadcast %shift_right_arithmetic3A_145 : i32 to vector<16xi32>
    %shift_right_arithmetic3A_147 = arith.shrsi %min3A_139, %shift_right_arithmetic3A_146 : vector<16xi32>
    %and3A_148 = arith.constant 127 : i32
    %and3A_149 = vector.broadcast %and3A_148 : i32 to vector<16xi32>
    %and3A_150 = arith.andi %min3A_139, %and3A_149 : vector<16xi32>
    tpu.vector_store_idx %arg7[%shift_right_arithmetic3A_147, %and3A_150], %broadcast_in_dim3A_4 masked %lt3A_144 : memref<160x128xi32, #tpu.memory_space<vmem>>[vector<16xi32>, vector<16xi32>], vector<16xi32>, vector<16xi1>
    %shift_right_arithmetic3A_151 = arith.constant 7 : i32
    %shift_right_arithmetic3A_152 = vector.broadcast %shift_right_arithmetic3A_151 : i32 to vector<16xi32>
    %shift_right_arithmetic3A_153 = arith.shrsi %min3A_139, %shift_right_arithmetic3A_152 : vector<16xi32>
    %and3A_154 = arith.constant 127 : i32
    %and3A_155 = vector.broadcast %and3A_154 : i32 to vector<16xi32>
    %and3A_156 = arith.andi %min3A_139, %and3A_155 : vector<16xi32>
    tpu.vector_store_idx %arg6[%shift_right_arithmetic3A_153, %and3A_156], %broadcast_in_dim3A_2 masked %lt3A_144 : memref<160x128xi32, #tpu.memory_space<vmem>>[vector<16xi32>, vector<16xi32>], vector<16xi32>, vector<16xi1>
    %add3A_157 = arith.constant 80 : i32
    %add3A_158 = arith.addi %scan3A_25, %add3A_157 : i32
    %broadcast_in_dim3A_159 = vector.broadcast %add3A_158 : i32 to vector<16xi32>
    %add3A_160 = arith.addi %broadcast_in_dim3A_159, %iota3A : vector<16xi32>
    %min3A_161 = arith.minsi %add3A_160, %broadcast_in_dim3A_49 : vector<16xi32>
    %add3A_162 = arith.constant 80 : i32
    %add3A_163 = arith.addi %scan3A_25, %add3A_162 : i32
    %broadcast_in_dim3A_164 = vector.broadcast %add3A_163 : i32 to vector<16xi32>
    %add3A_165 = arith.addi %broadcast_in_dim3A_164, %iota3A : vector<16xi32>
    %lt3A_166 = arith.cmpi slt, %add3A_165, %broadcast_in_dim3A_47 : vector<16xi32>
    %shift_right_arithmetic3A_167 = arith.constant 7 : i32
    %shift_right_arithmetic3A_168 = vector.broadcast %shift_right_arithmetic3A_167 : i32 to vector<16xi32>
    %shift_right_arithmetic3A_169 = arith.shrsi %min3A_161, %shift_right_arithmetic3A_168 : vector<16xi32>
    %and3A_170 = arith.constant 127 : i32
    %and3A_171 = vector.broadcast %and3A_170 : i32 to vector<16xi32>
    %and3A_172 = arith.andi %min3A_161, %and3A_171 : vector<16xi32>
    tpu.vector_store_idx %arg7[%shift_right_arithmetic3A_169, %and3A_172], %broadcast_in_dim3A_4 masked %lt3A_166 : memref<160x128xi32, #tpu.memory_space<vmem>>[vector<16xi32>, vector<16xi32>], vector<16xi32>, vector<16xi1>
    %shift_right_arithmetic3A_173 = arith.constant 7 : i32
    %shift_right_arithmetic3A_174 = vector.broadcast %shift_right_arithmetic3A_173 : i32 to vector<16xi32>
    %shift_right_arithmetic3A_175 = arith.shrsi %min3A_161, %shift_right_arithmetic3A_174 : vector<16xi32>
    %and3A_176 = arith.constant 127 : i32
    %and3A_177 = vector.broadcast %and3A_176 : i32 to vector<16xi32>
    %and3A_178 = arith.andi %min3A_161, %and3A_177 : vector<16xi32>
    tpu.vector_store_idx %arg6[%shift_right_arithmetic3A_175, %and3A_178], %broadcast_in_dim3A_2 masked %lt3A_166 : memref<160x128xi32, #tpu.memory_space<vmem>>[vector<16xi32>, vector<16xi32>], vector<16xi32>, vector<16xi1>
    %add3A_179 = arith.constant 96 : i32
    %add3A_180 = arith.addi %scan3A_25, %add3A_179 : i32
    %broadcast_in_dim3A_181 = vector.broadcast %add3A_180 : i32 to vector<16xi32>
    %add3A_182 = arith.addi %broadcast_in_dim3A_181, %iota3A : vector<16xi32>
    %min3A_183 = arith.minsi %add3A_182, %broadcast_in_dim3A_49 : vector<16xi32>
    %add3A_184 = arith.constant 96 : i32
    %add3A_185 = arith.addi %scan3A_25, %add3A_184 : i32
    %broadcast_in_dim3A_186 = vector.broadcast %add3A_185 : i32 to vector<16xi32>
    %add3A_187 = arith.addi %broadcast_in_dim3A_186, %iota3A : vector<16xi32>
    %lt3A_188 = arith.cmpi slt, %add3A_187, %broadcast_in_dim3A_47 : vector<16xi32>
    %shift_right_arithmetic3A_189 = arith.constant 7 : i32
    %shift_right_arithmetic3A_190 = vector.broadcast %shift_right_arithmetic3A_189 : i32 to vector<16xi32>
    %shift_right_arithmetic3A_191 = arith.shrsi %min3A_183, %shift_right_arithmetic3A_190 : vector<16xi32>
    %and3A_192 = arith.constant 127 : i32
    %and3A_193 = vector.broadcast %and3A_192 : i32 to vector<16xi32>
    %and3A_194 = arith.andi %min3A_183, %and3A_193 : vector<16xi32>
    tpu.vector_store_idx %arg7[%shift_right_arithmetic3A_191, %and3A_194], %broadcast_in_dim3A_4 masked %lt3A_188 : memref<160x128xi32, #tpu.memory_space<vmem>>[vector<16xi32>, vector<16xi32>], vector<16xi32>, vector<16xi1>
    %shift_right_arithmetic3A_195 = arith.constant 7 : i32
    %shift_right_arithmetic3A_196 = vector.broadcast %shift_right_arithmetic3A_195 : i32 to vector<16xi32>
    %shift_right_arithmetic3A_197 = arith.shrsi %min3A_183, %shift_right_arithmetic3A_196 : vector<16xi32>
    %and3A_198 = arith.constant 127 : i32
    %and3A_199 = vector.broadcast %and3A_198 : i32 to vector<16xi32>
    %and3A_200 = arith.andi %min3A_183, %and3A_199 : vector<16xi32>
    tpu.vector_store_idx %arg6[%shift_right_arithmetic3A_197, %and3A_200], %broadcast_in_dim3A_2 masked %lt3A_188 : memref<160x128xi32, #tpu.memory_space<vmem>>[vector<16xi32>, vector<16xi32>], vector<16xi32>, vector<16xi1>
    %add3A_201 = arith.constant 112 : i32
    %add3A_202 = arith.addi %scan3A_25, %add3A_201 : i32
    %broadcast_in_dim3A_203 = vector.broadcast %add3A_202 : i32 to vector<16xi32>
    %add3A_204 = arith.addi %broadcast_in_dim3A_203, %iota3A : vector<16xi32>
    %min3A_205 = arith.minsi %add3A_204, %broadcast_in_dim3A_49 : vector<16xi32>
    %add3A_206 = arith.constant 112 : i32
    %add3A_207 = arith.addi %scan3A_25, %add3A_206 : i32
    %broadcast_in_dim3A_208 = vector.broadcast %add3A_207 : i32 to vector<16xi32>
    %add3A_209 = arith.addi %broadcast_in_dim3A_208, %iota3A : vector<16xi32>
    %lt3A_210 = arith.cmpi slt, %add3A_209, %broadcast_in_dim3A_47 : vector<16xi32>
    %shift_right_arithmetic3A_211 = arith.constant 7 : i32
    %shift_right_arithmetic3A_212 = vector.broadcast %shift_right_arithmetic3A_211 : i32 to vector<16xi32>
    %shift_right_arithmetic3A_213 = arith.shrsi %min3A_205, %shift_right_arithmetic3A_212 : vector<16xi32>
    %and3A_214 = arith.constant 127 : i32
    %and3A_215 = vector.broadcast %and3A_214 : i32 to vector<16xi32>
    %and3A_216 = arith.andi %min3A_205, %and3A_215 : vector<16xi32>
    tpu.vector_store_idx %arg7[%shift_right_arithmetic3A_213, %and3A_216], %broadcast_in_dim3A_4 masked %lt3A_210 : memref<160x128xi32, #tpu.memory_space<vmem>>[vector<16xi32>, vector<16xi32>], vector<16xi32>, vector<16xi1>
    %shift_right_arithmetic3A_217 = arith.constant 7 : i32
    %shift_right_arithmetic3A_218 = vector.broadcast %shift_right_arithmetic3A_217 : i32 to vector<16xi32>
    %shift_right_arithmetic3A_219 = arith.shrsi %min3A_205, %shift_right_arithmetic3A_218 : vector<16xi32>
    %and3A_220 = arith.constant 127 : i32
    %and3A_221 = vector.broadcast %and3A_220 : i32 to vector<16xi32>
    %and3A_222 = arith.andi %min3A_205, %and3A_221 : vector<16xi32>
    tpu.vector_store_idx %arg6[%shift_right_arithmetic3A_219, %and3A_222], %broadcast_in_dim3A_2 masked %lt3A_210 : memref<160x128xi32, #tpu.memory_space<vmem>>[vector<16xi32>, vector<16xi32>], vector<16xi32>, vector<16xi1>
    %mul3A_223 = arith.constant 168 : i32
    %mul3A_224 = arith.muli %arg1, %mul3A_223 : i32
    "tpu.region"() ({
      %run_scoped3A = tpu.sem_alloc : memref<!tpu.dma_semaphore, #tpu.memory_space<semaphore_mem>>
      %dma_start3A = arith.constant 0 : i32
      %dma_start3A_575 = tpu.memref_slice %arg10[%mul3A_224, %dma_start3A] : memref<2688x128xf32, #tpu.memory_space<vmem_shared>> -> memref<128x128xf32, #tpu.memory_space<vmem_shared>>
      %dma_start3A_576 = arith.constant 0 : i32
      %dma_start3A_577 = tpu.memref_slice %arg10[%mul3A_224, %dma_start3A_576] : memref<2688x128xf32, #tpu.memory_space<vmem_shared>> -> memref<128x128xf32, #tpu.memory_space<vmem_shared>>
      tpu.enqueue_dma source(%arg8 : memref<128x128xf32, #tpu.memory_space<vmem>>) target(%dma_start3A_577 : memref<128x128xf32, #tpu.memory_space<vmem_shared>>) target_semaphore(%run_scoped3A : memref<!tpu.dma_semaphore, #tpu.memory_space<semaphore_mem>>)
      %dma_wait3A = arith.constant 0 : i32
      %dma_wait3A_578 = tpu.memref_slice %arg10[%mul3A_224, %dma_wait3A] : memref<2688x128xf32, #tpu.memory_space<vmem_shared>> -> memref<128x128xf32, #tpu.memory_space<vmem_shared>>
      %dma_wait3A_579 = arith.constant 0 : i32
      %dma_wait3A_580 = tpu.memref_slice %arg10[%mul3A_224, %dma_wait3A_579] : memref<2688x128xf32, #tpu.memory_space<vmem_shared>> -> memref<128x128xf32, #tpu.memory_space<vmem_shared>>
      tpu.wait_dma2 semaphore(%run_scoped3A : memref<!tpu.dma_semaphore, #tpu.memory_space<semaphore_mem>>) src(%arg8 : memref<128x128xf32, #tpu.memory_space<vmem>>) dst(%dma_wait3A_580 : memref<128x128xf32, #tpu.memory_space<vmem_shared>>)
      tpu.yield
    }) : () -> ()
    %mul3A_225 = arith.constant 168 : i32
    %mul3A_226 = arith.muli %arg1, %mul3A_225 : i32
    %add3A_227 = arith.constant 128 : i32
    %add3A_228 = arith.addi %mul3A_226, %add3A_227 : i32
    "tpu.region"() ({
      %run_scoped3A = tpu.sem_alloc : memref<!tpu.dma_semaphore, #tpu.memory_space<semaphore_mem>>
      %dma_start3A = arith.constant 0 : i32
      %dma_start3A_575 = arith.constant 0 : i32
      %dma_start3A_576 = tpu.memref_slice %arg8[%dma_start3A, %dma_start3A_575] : memref<128x128xf32, #tpu.memory_space<vmem>> -> memref<40x128xf32, #tpu.memory_space<vmem>>
      %dma_start3A_577 = arith.constant 0 : i32
      %dma_start3A_578 = tpu.memref_slice %arg10[%add3A_228, %dma_start3A_577] : memref<2688x128xf32, #tpu.memory_space<vmem_shared>> -> memref<40x128xf32, #tpu.memory_space<vmem_shared>>
      %dma_start3A_579 = arith.constant 0 : i32
      %dma_start3A_580 = tpu.memref_slice %arg10[%add3A_228, %dma_start3A_579] : memref<2688x128xf32, #tpu.memory_space<vmem_shared>> -> memref<40x128xf32, #tpu.memory_space<vmem_shared>>
      %dma_start3A_581 = arith.constant 0 : i32
      %dma_start3A_582 = arith.constant 0 : i32
      %dma_start3A_583 = tpu.memref_slice %arg8[%dma_start3A_581, %dma_start3A_582] : memref<128x128xf32, #tpu.memory_space<vmem>> -> memref<40x128xf32, #tpu.memory_space<vmem>>
      tpu.enqueue_dma source(%dma_start3A_583 : memref<40x128xf32, #tpu.memory_space<vmem>>) target(%dma_start3A_580 : memref<40x128xf32, #tpu.memory_space<vmem_shared>>) target_semaphore(%run_scoped3A : memref<!tpu.dma_semaphore, #tpu.memory_space<semaphore_mem>>)
      %dma_wait3A = arith.constant 0 : i32
      %dma_wait3A_584 = arith.constant 0 : i32
      %dma_wait3A_585 = tpu.memref_slice %arg8[%dma_wait3A, %dma_wait3A_584] : memref<128x128xf32, #tpu.memory_space<vmem>> -> memref<40x128xf32, #tpu.memory_space<vmem>>
      %dma_wait3A_586 = arith.constant 0 : i32
      %dma_wait3A_587 = tpu.memref_slice %arg10[%add3A_228, %dma_wait3A_586] : memref<2688x128xf32, #tpu.memory_space<vmem_shared>> -> memref<40x128xf32, #tpu.memory_space<vmem_shared>>
      %dma_wait3A_588 = arith.constant 0 : i32
      %dma_wait3A_589 = tpu.memref_slice %arg10[%add3A_228, %dma_wait3A_588] : memref<2688x128xf32, #tpu.memory_space<vmem_shared>> -> memref<40x128xf32, #tpu.memory_space<vmem_shared>>
      %dma_wait3A_590 = arith.constant 0 : i32
      %dma_wait3A_591 = arith.constant 0 : i32
      %dma_wait3A_592 = tpu.memref_slice %arg8[%dma_wait3A_590, %dma_wait3A_591] : memref<128x128xf32, #tpu.memory_space<vmem>> -> memref<40x128xf32, #tpu.memory_space<vmem>>
      tpu.wait_dma2 semaphore(%run_scoped3A : memref<!tpu.dma_semaphore, #tpu.memory_space<semaphore_mem>>) src(%dma_wait3A_592 : memref<40x128xf32, #tpu.memory_space<vmem>>) dst(%dma_wait3A_589 : memref<40x128xf32, #tpu.memory_space<vmem_shared>>)
      tpu.yield
    }) : () -> ()
    %barrier3A = arith.constant 0 : index
    tpu.barrier barrier_id(%barrier3A)
    %gt3A = arith.constant 0 : i32
    %gt3A_229 = arith.cmpi sgt, %select_n3A, %gt3A : i32
    %convert_element_type3A = arith.extui %gt3A_229 : i1 to i32
    %cond3A = arith.constant 0 : i32
    %cond3A_230 = arith.cmpi ne, %convert_element_type3A, %cond3A : i32
    scf.if %cond3A_230 {
      %dma_start3A = arith.constant 0 : i32
      %dma_start3A_575 = arith.constant 0 : i32
      %dma_start3A_576 = tpu.memref_slice %arg6[%dma_start3A, %dma_start3A_575] : memref<160x128xi32, #tpu.memory_space<vmem>> -> memref<1x128xi32, #tpu.memory_space<vmem>>
      %dma_start3A_577 = tpu.memref_squeeze %dma_start3A_576 : memref<1x128xi32, #tpu.memory_space<vmem>> -> memref<128xi32, #tpu.memory_space<vmem>>
      %dma_start3A_578 = arith.constant 0 : i32
      %dma_start3A_579 = arith.constant 0 : i32
      %dma_start3A_580 = tpu.memref_slice %arg2[%dma_start3A_578, %dma_start3A_579] : memref<10000x128xf32, #tpu.memory_space<hbm>> -> memref<10000x128xf32, #tpu.memory_space<hbm>>
      tpu.enqueue_indirect_dma source(%dma_start3A_580 : memref<10000x128xf32, #tpu.memory_space<hbm>>) target(%arg8 : memref<128x128xf32, #tpu.memory_space<vmem>>) offsets(%dma_start3A_577 : memref<128xi32, #tpu.memory_space<vmem>>) semaphore(%arg11 : memref<!tpu.dma_semaphore, #tpu.memory_space<semaphore_mem>>)
    } else {
    }
    %gt3A_231 = arith.constant 1 : i32
    %gt3A_232 = arith.cmpi sgt, %select_n3A, %gt3A_231 : i32
    %convert_element_type3A_233 = arith.extui %gt3A_232 : i1 to i32
    %cond3A_234 = arith.constant 0 : i32
    %cond3A_235 = arith.cmpi ne, %convert_element_type3A_233, %cond3A_234 : i32
    scf.if %cond3A_235 {
      %dma_start3A = arith.constant 1 : i32
      %dma_start3A_575 = arith.constant 0 : i32
      %dma_start3A_576 = tpu.memref_slice %arg6[%dma_start3A, %dma_start3A_575] : memref<160x128xi32, #tpu.memory_space<vmem>> -> memref<1x128xi32, #tpu.memory_space<vmem>>
      %dma_start3A_577 = tpu.memref_squeeze %dma_start3A_576 : memref<1x128xi32, #tpu.memory_space<vmem>> -> memref<128xi32, #tpu.memory_space<vmem>>
      %dma_start3A_578 = arith.constant 0 : i32
      %dma_start3A_579 = arith.constant 0 : i32
      %dma_start3A_580 = tpu.memref_slice %arg2[%dma_start3A_578, %dma_start3A_579] : memref<10000x128xf32, #tpu.memory_space<hbm>> -> memref<10000x128xf32, #tpu.memory_space<hbm>>
      tpu.enqueue_indirect_dma source(%dma_start3A_580 : memref<10000x128xf32, #tpu.memory_space<hbm>>) target(%arg9 : memref<128x128xf32, #tpu.memory_space<vmem>>) offsets(%dma_start3A_577 : memref<128xi32, #tpu.memory_space<vmem>>) semaphore(%arg12 : memref<!tpu.dma_semaphore, #tpu.memory_space<semaphore_mem>>)
    } else {
    }
    %add3A_236 = arith.constant 1 : i32
    %add3A_237 = arith.addi %select_n3A, %add3A_236 : i32
    %jit3A_238 = arith.constant 2 : i32
    %div3A_239 = arith.divsi %add3A_237, %jit3A_238 : i32
    %sign3A_240 = arith.constant 0 : i32
    %sign3A_241 = arith.cmpi sgt, %add3A_237, %sign3A_240 : i32
    %sign3A_242 = arith.extui %sign3A_241 : i1 to i32
    %sign3A_243 = arith.constant 0 : i32
    %sign3A_244 = arith.cmpi slt, %add3A_237, %sign3A_243 : i32
    %sign3A_245 = arith.extui %sign3A_244 : i1 to i32
    %sign3A_246 = arith.subi %sign3A_242, %sign3A_245 : i32
    %sign3A_247 = arith.constant 0 : i32
    %sign3A_248 = arith.cmpi sgt, %jit3A_238, %sign3A_247 : i32
    %sign3A_249 = arith.extui %sign3A_248 : i1 to i32
    %sign3A_250 = arith.constant 0 : i32
    %sign3A_251 = arith.cmpi slt, %jit3A_238, %sign3A_250 : i32
    %sign3A_252 = arith.extui %sign3A_251 : i1 to i32
    %sign3A_253 = arith.subi %sign3A_249, %sign3A_252 : i32
    %ne3A_254 = arith.cmpi ne, %sign3A_246, %sign3A_253 : i32
    %rem3A_255 = arith.remsi %add3A_237, %jit3A_238 : i32
    %ne3A_256 = arith.constant 0 : i32
    %ne3A_257 = arith.cmpi ne, %rem3A_255, %ne3A_256 : i32
    %and3A_258 = arith.andi %ne3A_254, %ne3A_257 : i1
    %sub3A_259 = arith.constant 1 : i32
    %sub3A_260 = arith.subi %div3A_239, %sub3A_259 : i32
    %select_n3A_261 = arith.select %and3A_258, %sub3A_260, %div3A_239 : i32
    %while3A = arith.constant 0 : i32
    %while3A_262 = arith.constant 0 : i32
    %while3A_263 = arith.subi %select_n3A_261, %while3A : i32
    %while3A_264 = arith.addi %while3A, %while3A_263 : i32
    %while3A_265 = arith.constant 1 : i32
    %while3A_266 = arith.divsi %while3A_263, %while3A_265 : i32
    %while3A_267 = arith.muli %while3A_266, %while3A_265 : i32
    %while3A_268 = arith.addi %while3A, %while3A_267 : i32
    %while3A_269 = arith.constant 1 : i32
    %while3A_270 = scf.for %while3A_575 = %while3A to %while3A_268 step %while3A_269 iter_args(%while3A_576 = %while3A_262) -> (i32)  : i32 {
      %mul3A_577 = arith.constant 2 : i32
      %mul3A_578 = arith.muli %while3A_575, %mul3A_577 : i32
      %add3A_579 = arith.constant 0 : i32
      %add3A_580 = arith.addi %mul3A_578, %add3A_579 : i32
      %lt3A_581 = arith.cmpi slt, %add3A_580, %select_n3A : i32
      %convert_element_type3A_582 = arith.extui %lt3A_581 : i1 to i32
      %cond3A_583 = arith.constant 0 : i32
      %cond3A_584 = arith.cmpi ne, %convert_element_type3A_582, %cond3A_583 : i32
      scf.if %cond3A_584 {
        %add3A_604 = arith.constant 0 : i32
        %add3A_605 = arith.addi %mul3A_578, %add3A_604 : i32
        %dma_wait3A = arith.constant 0 : i32
        %dma_wait3A_606 = tpu.memref_slice %arg6[%add3A_605, %dma_wait3A] : memref<160x128xi32, #tpu.memory_space<vmem>> -> memref<1x128xi32, #tpu.memory_space<vmem>>
        %dma_wait3A_607 = tpu.memref_squeeze %dma_wait3A_606 : memref<1x128xi32, #tpu.memory_space<vmem>> -> memref<128xi32, #tpu.memory_space<vmem>>
        %dma_wait3A_608 = arith.constant 0 : i32
        %dma_wait3A_609 = arith.constant 0 : i32
        %dma_wait3A_610 = tpu.memref_slice %arg2[%dma_wait3A_608, %dma_wait3A_609] : memref<10000x128xf32, #tpu.memory_space<hbm>> -> memref<10000x128xf32, #tpu.memory_space<hbm>>
        tpu.wait_indirect_dma semaphore(%arg11 : memref<!tpu.dma_semaphore, #tpu.memory_space<semaphore_mem>>) src(%dma_wait3A_610 : memref<10000x128xf32, #tpu.memory_space<hbm>>) dst(%arg8 : memref<128x128xf32, #tpu.memory_space<vmem>>)
        %add3A_611 = arith.constant 0 : i32
        %add3A_612 = arith.addi %mul3A_578, %add3A_611 : i32
        %dma_start3A = arith.constant 0 : i32
        %dma_start3A_613 = tpu.memref_slice %arg7[%add3A_612, %dma_start3A] : memref<160x128xi32, #tpu.memory_space<vmem>> -> memref<1x128xi32, #tpu.memory_space<vmem>>
        %dma_start3A_614 = tpu.memref_squeeze %dma_start3A_613 : memref<1x128xi32, #tpu.memory_space<vmem>> -> memref<128xi32, #tpu.memory_space<vmem>>
        %dma_start3A_615 = arith.constant 0 : i32
        %dma_start3A_616 = arith.constant 0 : i32
        %dma_start3A_617 = tpu.memref_slice %arg10[%dma_start3A_615, %dma_start3A_616] : memref<2688x128xf32, #tpu.memory_space<vmem_shared>> -> memref<2688x128xf32, #tpu.memory_space<vmem_shared>>
        tpu.enqueue_indirect_dma source(%arg8 : memref<128x128xf32, #tpu.memory_space<vmem>>) target(%dma_start3A_617 : memref<2688x128xf32, #tpu.memory_space<vmem_shared>>) offsets(%dma_start3A_614 : memref<128xi32, #tpu.memory_space<vmem>>) semaphore(%arg13 : memref<!tpu.dma_semaphore, #tpu.memory_space<semaphore_mem>>) {add = true}
      } else {
      }
      %add3A_585 = arith.constant 1 : i32
      %add3A_586 = arith.addi %mul3A_578, %add3A_585 : i32
      %lt3A_587 = arith.cmpi slt, %add3A_586, %select_n3A : i32
      %convert_element_type3A_588 = arith.extui %lt3A_587 : i1 to i32
      %cond3A_589 = arith.constant 0 : i32
      %cond3A_590 = arith.cmpi ne, %convert_element_type3A_588, %cond3A_589 : i32
      scf.if %cond3A_590 {
        %add3A_604 = arith.constant 1 : i32
        %add3A_605 = arith.addi %mul3A_578, %add3A_604 : i32
        %dma_wait3A = arith.constant 0 : i32
        %dma_wait3A_606 = tpu.memref_slice %arg6[%add3A_605, %dma_wait3A] : memref<160x128xi32, #tpu.memory_space<vmem>> -> memref<1x128xi32, #tpu.memory_space<vmem>>
        %dma_wait3A_607 = tpu.memref_squeeze %dma_wait3A_606 : memref<1x128xi32, #tpu.memory_space<vmem>> -> memref<128xi32, #tpu.memory_space<vmem>>
        %dma_wait3A_608 = arith.constant 0 : i32
        %dma_wait3A_609 = arith.constant 0 : i32
        %dma_wait3A_610 = tpu.memref_slice %arg2[%dma_wait3A_608, %dma_wait3A_609] : memref<10000x128xf32, #tpu.memory_space<hbm>> -> memref<10000x128xf32, #tpu.memory_space<hbm>>
        tpu.wait_indirect_dma semaphore(%arg12 : memref<!tpu.dma_semaphore, #tpu.memory_space<semaphore_mem>>) src(%dma_wait3A_610 : memref<10000x128xf32, #tpu.memory_space<hbm>>) dst(%arg9 : memref<128x128xf32, #tpu.memory_space<vmem>>)
        %add3A_611 = arith.constant 1 : i32
        %add3A_612 = arith.addi %mul3A_578, %add3A_611 : i32
        %dma_start3A = arith.constant 0 : i32
        %dma_start3A_613 = tpu.memref_slice %arg7[%add3A_612, %dma_start3A] : memref<160x128xi32, #tpu.memory_space<vmem>> -> memref<1x128xi32, #tpu.memory_space<vmem>>
        %dma_start3A_614 = tpu.memref_squeeze %dma_start3A_613 : memref<1x128xi32, #tpu.memory_space<vmem>> -> memref<128xi32, #tpu.memory_space<vmem>>
        %dma_start3A_615 = arith.constant 0 : i32
        %dma_start3A_616 = arith.constant 0 : i32
        %dma_start3A_617 = tpu.memref_slice %arg10[%dma_start3A_615, %dma_start3A_616] : memref<2688x128xf32, #tpu.memory_space<vmem_shared>> -> memref<2688x128xf32, #tpu.memory_space<vmem_shared>>
        tpu.enqueue_indirect_dma source(%arg9 : memref<128x128xf32, #tpu.memory_space<vmem>>) target(%dma_start3A_617 : memref<2688x128xf32, #tpu.memory_space<vmem_shared>>) offsets(%dma_start3A_614 : memref<128xi32, #tpu.memory_space<vmem>>) semaphore(%arg14 : memref<!tpu.dma_semaphore, #tpu.memory_space<semaphore_mem>>) {add = true}
      } else {
      }
      %add3A_591 = arith.constant 0 : i32
      %add3A_592 = arith.addi %mul3A_578, %add3A_591 : i32
      %lt3A_593 = arith.cmpi slt, %add3A_592, %select_n3A : i32
      %convert_element_type3A_594 = arith.extui %lt3A_593 : i1 to i32
      %cond3A_595 = arith.constant 0 : i32
      %cond3A_596 = arith.cmpi ne, %convert_element_type3A_594, %cond3A_595 : i32
      scf.if %cond3A_596 {
        %add3A_604 = arith.constant 0 : i32
        %add3A_605 = arith.addi %mul3A_578, %add3A_604 : i32
        %dma_wait3A = arith.constant 0 : i32
        %dma_wait3A_606 = tpu.memref_slice %arg7[%add3A_605, %dma_wait3A] : memref<160x128xi32, #tpu.memory_space<vmem>> -> memref<1x128xi32, #tpu.memory_space<vmem>>
        %dma_wait3A_607 = tpu.memref_squeeze %dma_wait3A_606 : memref<1x128xi32, #tpu.memory_space<vmem>> -> memref<128xi32, #tpu.memory_space<vmem>>
        %dma_wait3A_608 = arith.constant 0 : i32
        %dma_wait3A_609 = arith.constant 0 : i32
        %dma_wait3A_610 = tpu.memref_slice %arg10[%dma_wait3A_608, %dma_wait3A_609] : memref<2688x128xf32, #tpu.memory_space<vmem_shared>> -> memref<2688x128xf32, #tpu.memory_space<vmem_shared>>
        tpu.wait_indirect_dma semaphore(%arg13 : memref<!tpu.dma_semaphore, #tpu.memory_space<semaphore_mem>>) src(%arg8 : memref<128x128xf32, #tpu.memory_space<vmem>>) dst(%dma_wait3A_610 : memref<2688x128xf32, #tpu.memory_space<vmem_shared>>)
        %add3A_611 = arith.constant 2 : i32
        %add3A_612 = arith.addi %mul3A_578, %add3A_611 : i32
        %add3A_613 = arith.constant 0 : i32
        %add3A_614 = arith.addi %add3A_612, %add3A_613 : i32
        %lt3A_615 = arith.cmpi slt, %add3A_614, %select_n3A : i32
        %convert_element_type3A_616 = arith.extui %lt3A_615 : i1 to i32
        %cond3A_617 = arith.constant 0 : i32
        %cond3A_618 = arith.cmpi ne, %convert_element_type3A_616, %cond3A_617 : i32
        scf.if %cond3A_618 {
          %add3A_619 = arith.constant 2 : i32
          %add3A_620 = arith.addi %mul3A_578, %add3A_619 : i32
          %add3A_621 = arith.constant 0 : i32
          %add3A_622 = arith.addi %add3A_620, %add3A_621 : i32
          %dma_start3A = arith.constant 0 : i32
          %dma_start3A_623 = tpu.memref_slice %arg6[%add3A_622, %dma_start3A] : memref<160x128xi32, #tpu.memory_space<vmem>> -> memref<1x128xi32, #tpu.memory_space<vmem>>
          %dma_start3A_624 = tpu.memref_squeeze %dma_start3A_623 : memref<1x128xi32, #tpu.memory_space<vmem>> -> memref<128xi32, #tpu.memory_space<vmem>>
          %dma_start3A_625 = arith.constant 0 : i32
          %dma_start3A_626 = arith.constant 0 : i32
          %dma_start3A_627 = tpu.memref_slice %arg2[%dma_start3A_625, %dma_start3A_626] : memref<10000x128xf32, #tpu.memory_space<hbm>> -> memref<10000x128xf32, #tpu.memory_space<hbm>>
          tpu.enqueue_indirect_dma source(%dma_start3A_627 : memref<10000x128xf32, #tpu.memory_space<hbm>>) target(%arg8 : memref<128x128xf32, #tpu.memory_space<vmem>>) offsets(%dma_start3A_624 : memref<128xi32, #tpu.memory_space<vmem>>) semaphore(%arg11 : memref<!tpu.dma_semaphore, #tpu.memory_space<semaphore_mem>>)
        } else {
        }
      } else {
      }
      %add3A_597 = arith.constant 1 : i32
      %add3A_598 = arith.addi %mul3A_578, %add3A_597 : i32
      %lt3A_599 = arith.cmpi slt, %add3A_598, %select_n3A : i32
      %convert_element_type3A_600 = arith.extui %lt3A_599 : i1 to i32
      %cond3A_601 = arith.constant 0 : i32
      %cond3A_602 = arith.cmpi ne, %convert_element_type3A_600, %cond3A_601 : i32
      scf.if %cond3A_602 {
        %add3A_604 = arith.constant 1 : i32
        %add3A_605 = arith.addi %mul3A_578, %add3A_604 : i32
        %dma_wait3A = arith.constant 0 : i32
        %dma_wait3A_606 = tpu.memref_slice %arg7[%add3A_605, %dma_wait3A] : memref<160x128xi32, #tpu.memory_space<vmem>> -> memref<1x128xi32, #tpu.memory_space<vmem>>
        %dma_wait3A_607 = tpu.memref_squeeze %dma_wait3A_606 : memref<1x128xi32, #tpu.memory_space<vmem>> -> memref<128xi32, #tpu.memory_space<vmem>>
        %dma_wait3A_608 = arith.constant 0 : i32
        %dma_wait3A_609 = arith.constant 0 : i32
        %dma_wait3A_610 = tpu.memref_slice %arg10[%dma_wait3A_608, %dma_wait3A_609] : memref<2688x128xf32, #tpu.memory_space<vmem_shared>> -> memref<2688x128xf32, #tpu.memory_space<vmem_shared>>
        tpu.wait_indirect_dma semaphore(%arg14 : memref<!tpu.dma_semaphore, #tpu.memory_space<semaphore_mem>>) src(%arg9 : memref<128x128xf32, #tpu.memory_space<vmem>>) dst(%dma_wait3A_610 : memref<2688x128xf32, #tpu.memory_space<vmem_shared>>)
        %add3A_611 = arith.constant 2 : i32
        %add3A_612 = arith.addi %mul3A_578, %add3A_611 : i32
        %add3A_613 = arith.constant 1 : i32
        %add3A_614 = arith.addi %add3A_612, %add3A_613 : i32
        %lt3A_615 = arith.cmpi slt, %add3A_614, %select_n3A : i32
        %convert_element_type3A_616 = arith.extui %lt3A_615 : i1 to i32
        %cond3A_617 = arith.constant 0 : i32
        %cond3A_618 = arith.cmpi ne, %convert_element_type3A_616, %cond3A_617 : i32
        scf.if %cond3A_618 {
          %add3A_619 = arith.constant 2 : i32
          %add3A_620 = arith.addi %mul3A_578, %add3A_619 : i32
          %add3A_621 = arith.constant 1 : i32
          %add3A_622 = arith.addi %add3A_620, %add3A_621 : i32
          %dma_start3A = arith.constant 0 : i32
          %dma_start3A_623 = tpu.memref_slice %arg6[%add3A_622, %dma_start3A] : memref<160x128xi32, #tpu.memory_space<vmem>> -> memref<1x128xi32, #tpu.memory_space<vmem>>
          %dma_start3A_624 = tpu.memref_squeeze %dma_start3A_623 : memref<1x128xi32, #tpu.memory_space<vmem>> -> memref<128xi32, #tpu.memory_space<vmem>>
          %dma_start3A_625 = arith.constant 0 : i32
          %dma_start3A_626 = arith.constant 0 : i32
          %dma_start3A_627 = tpu.memref_slice %arg2[%dma_start3A_625, %dma_start3A_626] : memref<10000x128xf32, #tpu.memory_space<hbm>> -> memref<10000x128xf32, #tpu.memory_space<hbm>>
          tpu.enqueue_indirect_dma source(%dma_start3A_627 : memref<10000x128xf32, #tpu.memory_space<hbm>>) target(%arg9 : memref<128x128xf32, #tpu.memory_space<vmem>>) offsets(%dma_start3A_624 : memref<128xi32, #tpu.memory_space<vmem>>) semaphore(%arg12 : memref<!tpu.dma_semaphore, #tpu.memory_space<semaphore_mem>>)
        } else {
        }
      } else {
      }
      %while3A_603 = arith.constant 0 : i32
      scf.yield %while3A_603 : i32
    }
    %while3A_271 = arith.constant 1 : i32
    %while3A_272 = scf.for %while3A_575 = %while3A_268 to %while3A_264 step %while3A_271 iter_args(%while3A_576 = %while3A_270) -> (i32)  : i32 {
      %mul3A_577 = arith.constant 2 : i32
      %mul3A_578 = arith.muli %while3A_575, %mul3A_577 : i32
      %add3A_579 = arith.constant 0 : i32
      %add3A_580 = arith.addi %mul3A_578, %add3A_579 : i32
      %lt3A_581 = arith.cmpi slt, %add3A_580, %select_n3A : i32
      %convert_element_type3A_582 = arith.extui %lt3A_581 : i1 to i32
      %cond3A_583 = arith.constant 0 : i32
      %cond3A_584 = arith.cmpi ne, %convert_element_type3A_582, %cond3A_583 : i32
      scf.if %cond3A_584 {
        %add3A_604 = arith.constant 0 : i32
        %add3A_605 = arith.addi %mul3A_578, %add3A_604 : i32
        %dma_wait3A = arith.constant 0 : i32
        %dma_wait3A_606 = tpu.memref_slice %arg6[%add3A_605, %dma_wait3A] : memref<160x128xi32, #tpu.memory_space<vmem>> -> memref<1x128xi32, #tpu.memory_space<vmem>>
        %dma_wait3A_607 = tpu.memref_squeeze %dma_wait3A_606 : memref<1x128xi32, #tpu.memory_space<vmem>> -> memref<128xi32, #tpu.memory_space<vmem>>
        %dma_wait3A_608 = arith.constant 0 : i32
        %dma_wait3A_609 = arith.constant 0 : i32
        %dma_wait3A_610 = tpu.memref_slice %arg2[%dma_wait3A_608, %dma_wait3A_609] : memref<10000x128xf32, #tpu.memory_space<hbm>> -> memref<10000x128xf32, #tpu.memory_space<hbm>>
        tpu.wait_indirect_dma semaphore(%arg11 : memref<!tpu.dma_semaphore, #tpu.memory_space<semaphore_mem>>) src(%dma_wait3A_610 : memref<10000x128xf32, #tpu.memory_space<hbm>>) dst(%arg8 : memref<128x128xf32, #tpu.memory_space<vmem>>)
        %add3A_611 = arith.constant 0 : i32
        %add3A_612 = arith.addi %mul3A_578, %add3A_611 : i32
        %dma_start3A = arith.constant 0 : i32
        %dma_start3A_613 = tpu.memref_slice %arg7[%add3A_612, %dma_start3A] : memref<160x128xi32, #tpu.memory_space<vmem>> -> memref<1x128xi32, #tpu.memory_space<vmem>>
        %dma_start3A_614 = tpu.memref_squeeze %dma_start3A_613 : memref<1x128xi32, #tpu.memory_space<vmem>> -> memref<128xi32, #tpu.memory_space<vmem>>
        %dma_start3A_615 = arith.constant 0 : i32
        %dma_start3A_616 = arith.constant 0 : i32
        %dma_start3A_617 = tpu.memref_slice %arg10[%dma_start3A_615, %dma_start3A_616] : memref<2688x128xf32, #tpu.memory_space<vmem_shared>> -> memref<2688x128xf32, #tpu.memory_space<vmem_shared>>
        tpu.enqueue_indirect_dma source(%arg8 : memref<128x128xf32, #tpu.memory_space<vmem>>) target(%dma_start3A_617 : memref<2688x128xf32, #tpu.memory_space<vmem_shared>>) offsets(%dma_start3A_614 : memref<128xi32, #tpu.memory_space<vmem>>) semaphore(%arg13 : memref<!tpu.dma_semaphore, #tpu.memory_space<semaphore_mem>>) {add = true}
      } else {
      }
      %add3A_585 = arith.constant 1 : i32
      %add3A_586 = arith.addi %mul3A_578, %add3A_585 : i32
      %lt3A_587 = arith.cmpi slt, %add3A_586, %select_n3A : i32
      %convert_element_type3A_588 = arith.extui %lt3A_587 : i1 to i32
      %cond3A_589 = arith.constant 0 : i32
      %cond3A_590 = arith.cmpi ne, %convert_element_type3A_588, %cond3A_589 : i32
      scf.if %cond3A_590 {
        %add3A_604 = arith.constant 1 : i32
        %add3A_605 = arith.addi %mul3A_578, %add3A_604 : i32
        %dma_wait3A = arith.constant 0 : i32
        %dma_wait3A_606 = tpu.memref_slice %arg6[%add3A_605, %dma_wait3A] : memref<160x128xi32, #tpu.memory_space<vmem>> -> memref<1x128xi32, #tpu.memory_space<vmem>>
        %dma_wait3A_607 = tpu.memref_squeeze %dma_wait3A_606 : memref<1x128xi32, #tpu.memory_space<vmem>> -> memref<128xi32, #tpu.memory_space<vmem>>
        %dma_wait3A_608 = arith.constant 0 : i32
        %dma_wait3A_609 = arith.constant 0 : i32
        %dma_wait3A_610 = tpu.memref_slice %arg2[%dma_wait3A_608, %dma_wait3A_609] : memref<10000x128xf32, #tpu.memory_space<hbm>> -> memref<10000x128xf32, #tpu.memory_space<hbm>>
        tpu.wait_indirect_dma semaphore(%arg12 : memref<!tpu.dma_semaphore, #tpu.memory_space<semaphore_mem>>) src(%dma_wait3A_610 : memref<10000x128xf32, #tpu.memory_space<hbm>>) dst(%arg9 : memref<128x128xf32, #tpu.memory_space<vmem>>)
        %add3A_611 = arith.constant 1 : i32
        %add3A_612 = arith.addi %mul3A_578, %add3A_611 : i32
        %dma_start3A = arith.constant 0 : i32
        %dma_start3A_613 = tpu.memref_slice %arg7[%add3A_612, %dma_start3A] : memref<160x128xi32, #tpu.memory_space<vmem>> -> memref<1x128xi32, #tpu.memory_space<vmem>>
        %dma_start3A_614 = tpu.memref_squeeze %dma_start3A_613 : memref<1x128xi32, #tpu.memory_space<vmem>> -> memref<128xi32, #tpu.memory_space<vmem>>
        %dma_start3A_615 = arith.constant 0 : i32
        %dma_start3A_616 = arith.constant 0 : i32
        %dma_start3A_617 = tpu.memref_slice %arg10[%dma_start3A_615, %dma_start3A_616] : memref<2688x128xf32, #tpu.memory_space<vmem_shared>> -> memref<2688x128xf32, #tpu.memory_space<vmem_shared>>
        tpu.enqueue_indirect_dma source(%arg9 : memref<128x128xf32, #tpu.memory_space<vmem>>) target(%dma_start3A_617 : memref<2688x128xf32, #tpu.memory_space<vmem_shared>>) offsets(%dma_start3A_614 : memref<128xi32, #tpu.memory_space<vmem>>) semaphore(%arg14 : memref<!tpu.dma_semaphore, #tpu.memory_space<semaphore_mem>>) {add = true}
      } else {
      }
      %add3A_591 = arith.constant 0 : i32
      %add3A_592 = arith.addi %mul3A_578, %add3A_591 : i32
      %lt3A_593 = arith.cmpi slt, %add3A_592, %select_n3A : i32
      %convert_element_type3A_594 = arith.extui %lt3A_593 : i1 to i32
      %cond3A_595 = arith.constant 0 : i32
      %cond3A_596 = arith.cmpi ne, %convert_element_type3A_594, %cond3A_595 : i32
      scf.if %cond3A_596 {
        %add3A_604 = arith.constant 0 : i32
        %add3A_605 = arith.addi %mul3A_578, %add3A_604 : i32
        %dma_wait3A = arith.constant 0 : i32
        %dma_wait3A_606 = tpu.memref_slice %arg7[%add3A_605, %dma_wait3A] : memref<160x128xi32, #tpu.memory_space<vmem>> -> memref<1x128xi32, #tpu.memory_space<vmem>>
        %dma_wait3A_607 = tpu.memref_squeeze %dma_wait3A_606 : memref<1x128xi32, #tpu.memory_space<vmem>> -> memref<128xi32, #tpu.memory_space<vmem>>
        %dma_wait3A_608 = arith.constant 0 : i32
        %dma_wait3A_609 = arith.constant 0 : i32
        %dma_wait3A_610 = tpu.memref_slice %arg10[%dma_wait3A_608, %dma_wait3A_609] : memref<2688x128xf32, #tpu.memory_space<vmem_shared>> -> memref<2688x128xf32, #tpu.memory_space<vmem_shared>>
        tpu.wait_indirect_dma semaphore(%arg13 : memref<!tpu.dma_semaphore, #tpu.memory_space<semaphore_mem>>) src(%arg8 : memref<128x128xf32, #tpu.memory_space<vmem>>) dst(%dma_wait3A_610 : memref<2688x128xf32, #tpu.memory_space<vmem_shared>>)
        %add3A_611 = arith.constant 2 : i32
        %add3A_612 = arith.addi %mul3A_578, %add3A_611 : i32
        %add3A_613 = arith.constant 0 : i32
        %add3A_614 = arith.addi %add3A_612, %add3A_613 : i32
        %lt3A_615 = arith.cmpi slt, %add3A_614, %select_n3A : i32
        %convert_element_type3A_616 = arith.extui %lt3A_615 : i1 to i32
        %cond3A_617 = arith.constant 0 : i32
        %cond3A_618 = arith.cmpi ne, %convert_element_type3A_616, %cond3A_617 : i32
        scf.if %cond3A_618 {
          %add3A_619 = arith.constant 2 : i32
          %add3A_620 = arith.addi %mul3A_578, %add3A_619 : i32
          %add3A_621 = arith.constant 0 : i32
          %add3A_622 = arith.addi %add3A_620, %add3A_621 : i32
          %dma_start3A = arith.constant 0 : i32
          %dma_start3A_623 = tpu.memref_slice %arg6[%add3A_622, %dma_start3A] : memref<160x128xi32, #tpu.memory_space<vmem>> -> memref<1x128xi32, #tpu.memory_space<vmem>>
          %dma_start3A_624 = tpu.memref_squeeze %dma_start3A_623 : memref<1x128xi32, #tpu.memory_space<vmem>> -> memref<128xi32, #tpu.memory_space<vmem>>
          %dma_start3A_625 = arith.constant 0 : i32
          %dma_start3A_626 = arith.constant 0 : i32
          %dma_start3A_627 = tpu.memref_slice %arg2[%dma_start3A_625, %dma_start3A_626] : memref<10000x128xf32, #tpu.memory_space<hbm>> -> memref<10000x128xf32, #tpu.memory_space<hbm>>
          tpu.enqueue_indirect_dma source(%dma_start3A_627 : memref<10000x128xf32, #tpu.memory_space<hbm>>) target(%arg8 : memref<128x128xf32, #tpu.memory_space<vmem>>) offsets(%dma_start3A_624 : memref<128xi32, #tpu.memory_space<vmem>>) semaphore(%arg11 : memref<!tpu.dma_semaphore, #tpu.memory_space<semaphore_mem>>)
        } else {
        }
      } else {
      }
      %add3A_597 = arith.constant 1 : i32
      %add3A_598 = arith.addi %mul3A_578, %add3A_597 : i32
      %lt3A_599 = arith.cmpi slt, %add3A_598, %select_n3A : i32
      %convert_element_type3A_600 = arith.extui %lt3A_599 : i1 to i32
      %cond3A_601 = arith.constant 0 : i32
      %cond3A_602 = arith.cmpi ne, %convert_element_type3A_600, %cond3A_601 : i32
      scf.if %cond3A_602 {
        %add3A_604 = arith.constant 1 : i32
        %add3A_605 = arith.addi %mul3A_578, %add3A_604 : i32
        %dma_wait3A = arith.constant 0 : i32
        %dma_wait3A_606 = tpu.memref_slice %arg7[%add3A_605, %dma_wait3A] : memref<160x128xi32, #tpu.memory_space<vmem>> -> memref<1x128xi32, #tpu.memory_space<vmem>>
        %dma_wait3A_607 = tpu.memref_squeeze %dma_wait3A_606 : memref<1x128xi32, #tpu.memory_space<vmem>> -> memref<128xi32, #tpu.memory_space<vmem>>
        %dma_wait3A_608 = arith.constant 0 : i32
        %dma_wait3A_609 = arith.constant 0 : i32
        %dma_wait3A_610 = tpu.memref_slice %arg10[%dma_wait3A_608, %dma_wait3A_609] : memref<2688x128xf32, #tpu.memory_space<vmem_shared>> -> memref<2688x128xf32, #tpu.memory_space<vmem_shared>>
        tpu.wait_indirect_dma semaphore(%arg14 : memref<!tpu.dma_semaphore, #tpu.memory_space<semaphore_mem>>) src(%arg9 : memref<128x128xf32, #tpu.memory_space<vmem>>) dst(%dma_wait3A_610 : memref<2688x128xf32, #tpu.memory_space<vmem_shared>>)
        %add3A_611 = arith.constant 2 : i32
        %add3A_612 = arith.addi %mul3A_578, %add3A_611 : i32
        %add3A_613 = arith.constant 1 : i32
        %add3A_614 = arith.addi %add3A_612, %add3A_613 : i32
        %lt3A_615 = arith.cmpi slt, %add3A_614, %select_n3A : i32
        %convert_element_type3A_616 = arith.extui %lt3A_615 : i1 to i32
        %cond3A_617 = arith.constant 0 : i32
        %cond3A_618 = arith.cmpi ne, %convert_element_type3A_616, %cond3A_617 : i32
        scf.if %cond3A_618 {
          %add3A_619 = arith.constant 2 : i32
          %add3A_620 = arith.addi %mul3A_578, %add3A_619 : i32
          %add3A_621 = arith.constant 1 : i32
          %add3A_622 = arith.addi %add3A_620, %add3A_621 : i32
          %dma_start3A = arith.constant 0 : i32
          %dma_start3A_623 = tpu.memref_slice %arg6[%add3A_622, %dma_start3A] : memref<160x128xi32, #tpu.memory_space<vmem>> -> memref<1x128xi32, #tpu.memory_space<vmem>>
          %dma_start3A_624 = tpu.memref_squeeze %dma_start3A_623 : memref<1x128xi32, #tpu.memory_space<vmem>> -> memref<128xi32, #tpu.memory_space<vmem>>
          %dma_start3A_625 = arith.constant 0 : i32
          %dma_start3A_626 = arith.constant 0 : i32
          %dma_start3A_627 = tpu.memref_slice %arg2[%dma_start3A_625, %dma_start3A_626] : memref<10000x128xf32, #tpu.memory_space<hbm>> -> memref<10000x128xf32, #tpu.memory_space<hbm>>
          tpu.enqueue_indirect_dma source(%dma_start3A_627 : memref<10000x128xf32, #tpu.memory_space<hbm>>) target(%arg9 : memref<128x128xf32, #tpu.memory_space<vmem>>) offsets(%dma_start3A_624 : memref<128xi32, #tpu.memory_space<vmem>>) semaphore(%arg12 : memref<!tpu.dma_semaphore, #tpu.memory_space<semaphore_mem>>)
        } else {
        }
      } else {
      }
      %while3A_603 = arith.constant 0 : i32
      scf.yield %while3A_603 : i32
    }
    %barrier3A_273 = arith.constant 0 : index
    tpu.barrier barrier_id(%barrier3A_273)
    %mul3A_274 = arith.constant 160 : i32
    %mul3A_275 = arith.muli %arg1, %mul3A_274 : i32
    %mul3A_276 = arith.constant 160 : i32
    %mul3A_277 = arith.muli %arg1, %mul3A_276 : i32
    %add3A_278 = arith.addi %mul3A_8, %mul3A_277 : i32
    "tpu.region"() ({
      %run_scoped3A = tpu.sem_alloc : memref<!tpu.dma_semaphore, #tpu.memory_space<semaphore_mem>>
      %dma_start3A = arith.constant 0 : i32
      %dma_start3A_575 = tpu.memref_slice %arg5[%add3A_278, %dma_start3A] : memref<10240x128xf32, #tpu.memory_space<hbm>> -> memref<160x128xf32, #tpu.memory_space<hbm>>
      %dma_start3A_576 = arith.constant 0 : i32
      %dma_start3A_577 = tpu.memref_slice %arg10[%mul3A_275, %dma_start3A_576] : memref<2688x128xf32, #tpu.memory_space<vmem_shared>> -> memref<160x128xf32, #tpu.memory_space<vmem_shared>>
      tpu.enqueue_dma source(%dma_start3A_577 : memref<160x128xf32, #tpu.memory_space<vmem_shared>>) target(%dma_start3A_575 : memref<160x128xf32, #tpu.memory_space<hbm>>) target_semaphore(%run_scoped3A : memref<!tpu.dma_semaphore, #tpu.memory_space<semaphore_mem>>)
      %dma_wait3A = arith.constant 0 : i32
      %dma_wait3A_578 = tpu.memref_slice %arg5[%add3A_278, %dma_wait3A] : memref<10240x128xf32, #tpu.memory_space<hbm>> -> memref<160x128xf32, #tpu.memory_space<hbm>>
      %dma_wait3A_579 = arith.constant 0 : i32
      %dma_wait3A_580 = tpu.memref_slice %arg10[%mul3A_275, %dma_wait3A_579] : memref<2688x128xf32, #tpu.memory_space<vmem_shared>> -> memref<160x128xf32, #tpu.memory_space<vmem_shared>>
      tpu.wait_dma2 semaphore(%run_scoped3A : memref<!tpu.dma_semaphore, #tpu.memory_space<semaphore_mem>>) src(%dma_wait3A_580 : memref<160x128xf32, #tpu.memory_space<vmem_shared>>) dst(%dma_wait3A_578 : memref<160x128xf32, #tpu.memory_space<hbm>>)
      tpu.yield
    }) : () -> ()
    %barrier3A_279 = arith.constant 0 : index
    tpu.barrier barrier_id(%barrier3A_279)
    %mul3A_280 = arith.constant 2 : i32
    %mul3A_281 = arith.muli %mul3A_280, %arg0 : i32
    %add3A_282 = arith.constant 1 : i32
    %add3A_283 = arith.addi %mul3A_281, %add3A_282 : i32
    %mul3A_284 = arith.constant 2560 : i32
    %mul3A_285 = arith.muli %add3A_283, %mul3A_284 : i32
    %broadcast_in_dim3A_286 = vector.broadcast %mul3A_285 : i32 to vector<16xi32>
    "tpu.region"() ({
      %run_scoped3A = tpu.sem_alloc : memref<!tpu.dma_semaphore, #tpu.memory_space<semaphore_mem>>
      %dma_start3A = arith.constant 0 : i32
      %dma_start3A_575 = arith.constant 0 : i32
      %dma_start3A_576 = tpu.memref_slice %arg3[%arg1, %dma_start3A, %dma_start3A_575] : memref<16x160x128xi32, #tpu.memory_space<hbm>> -> memref<1x160x128xi32, #tpu.memory_space<hbm>>
      %dma_start3A_577 = tpu.memref_squeeze %dma_start3A_576 : memref<1x160x128xi32, #tpu.memory_space<hbm>> -> memref<160x128xi32, #tpu.memory_space<hbm>>
      %dma_start3A_578 = arith.constant 0 : i32
      %dma_start3A_579 = arith.constant 0 : i32
      %dma_start3A_580 = tpu.memref_slice %arg3[%arg1, %dma_start3A_578, %dma_start3A_579] : memref<16x160x128xi32, #tpu.memory_space<hbm>> -> memref<1x160x128xi32, #tpu.memory_space<hbm>>
      %dma_start3A_581 = tpu.memref_squeeze %dma_start3A_580 : memref<1x160x128xi32, #tpu.memory_space<hbm>> -> memref<160x128xi32, #tpu.memory_space<hbm>>
      tpu.enqueue_dma source(%dma_start3A_581 : memref<160x128xi32, #tpu.memory_space<hbm>>) target(%arg6 : memref<160x128xi32, #tpu.memory_space<vmem>>) target_semaphore(%run_scoped3A : memref<!tpu.dma_semaphore, #tpu.memory_space<semaphore_mem>>)
      %dma_wait3A = arith.constant 0 : i32
      %dma_wait3A_582 = arith.constant 0 : i32
      %dma_wait3A_583 = tpu.memref_slice %arg3[%arg1, %dma_wait3A, %dma_wait3A_582] : memref<16x160x128xi32, #tpu.memory_space<hbm>> -> memref<1x160x128xi32, #tpu.memory_space<hbm>>
      %dma_wait3A_584 = tpu.memref_squeeze %dma_wait3A_583 : memref<1x160x128xi32, #tpu.memory_space<hbm>> -> memref<160x128xi32, #tpu.memory_space<hbm>>
      %dma_wait3A_585 = arith.constant 0 : i32
      %dma_wait3A_586 = arith.constant 0 : i32
      %dma_wait3A_587 = tpu.memref_slice %arg3[%arg1, %dma_wait3A_585, %dma_wait3A_586] : memref<16x160x128xi32, #tpu.memory_space<hbm>> -> memref<1x160x128xi32, #tpu.memory_space<hbm>>
      %dma_wait3A_588 = tpu.memref_squeeze %dma_wait3A_587 : memref<1x160x128xi32, #tpu.memory_space<hbm>> -> memref<160x128xi32, #tpu.memory_space<hbm>>
      tpu.wait_dma2 semaphore(%run_scoped3A : memref<!tpu.dma_semaphore, #tpu.memory_space<semaphore_mem>>) src(%dma_wait3A_588 : memref<160x128xi32, #tpu.memory_space<hbm>>) dst(%arg6 : memref<160x128xi32, #tpu.memory_space<vmem>>)
      tpu.yield
    }) : () -> ()
    "tpu.region"() ({
      %run_scoped3A = tpu.sem_alloc : memref<!tpu.dma_semaphore, #tpu.memory_space<semaphore_mem>>
      %dma_start3A = arith.constant 0 : i32
      %dma_start3A_575 = arith.constant 0 : i32
      %dma_start3A_576 = tpu.memref_slice %arg4[%arg1, %dma_start3A, %dma_start3A_575] : memref<16x160x128xi32, #tpu.memory_space<hbm>> -> memref<1x160x128xi32, #tpu.memory_space<hbm>>
      %dma_start3A_577 = tpu.memref_squeeze %dma_start3A_576 : memref<1x160x128xi32, #tpu.memory_space<hbm>> -> memref<160x128xi32, #tpu.memory_space<hbm>>
      %dma_start3A_578 = arith.constant 0 : i32
      %dma_start3A_579 = arith.constant 0 : i32
      %dma_start3A_580 = tpu.memref_slice %arg4[%arg1, %dma_start3A_578, %dma_start3A_579] : memref<16x160x128xi32, #tpu.memory_space<hbm>> -> memref<1x160x128xi32, #tpu.memory_space<hbm>>
      %dma_start3A_581 = tpu.memref_squeeze %dma_start3A_580 : memref<1x160x128xi32, #tpu.memory_space<hbm>> -> memref<160x128xi32, #tpu.memory_space<hbm>>
      tpu.enqueue_dma source(%dma_start3A_581 : memref<160x128xi32, #tpu.memory_space<hbm>>) target(%arg7 : memref<160x128xi32, #tpu.memory_space<vmem>>) target_semaphore(%run_scoped3A : memref<!tpu.dma_semaphore, #tpu.memory_space<semaphore_mem>>)
      %dma_wait3A = arith.constant 0 : i32
      %dma_wait3A_582 = arith.constant 0 : i32
      %dma_wait3A_583 = tpu.memref_slice %arg4[%arg1, %dma_wait3A, %dma_wait3A_582] : memref<16x160x128xi32, #tpu.memory_space<hbm>> -> memref<1x160x128xi32, #tpu.memory_space<hbm>>
      %dma_wait3A_584 = tpu.memref_squeeze %dma_wait3A_583 : memref<1x160x128xi32, #tpu.memory_space<hbm>> -> memref<160x128xi32, #tpu.memory_space<hbm>>
      %dma_wait3A_585 = arith.constant 0 : i32
      %dma_wait3A_586 = arith.constant 0 : i32
      %dma_wait3A_587 = tpu.memref_slice %arg4[%arg1, %dma_wait3A_585, %dma_wait3A_586] : memref<16x160x128xi32, #tpu.memory_space<hbm>> -> memref<1x160x128xi32, #tpu.memory_space<hbm>>
      %dma_wait3A_588 = tpu.memref_squeeze %dma_wait3A_587 : memref<1x160x128xi32, #tpu.memory_space<hbm>> -> memref<160x128xi32, #tpu.memory_space<hbm>>
      tpu.wait_dma2 semaphore(%run_scoped3A : memref<!tpu.dma_semaphore, #tpu.memory_space<semaphore_mem>>) src(%dma_wait3A_588 : memref<160x128xi32, #tpu.memory_space<hbm>>) dst(%arg7 : memref<160x128xi32, #tpu.memory_space<vmem>>)
      tpu.yield
    }) : () -> ()
    %scan3A_287 = arith.constant 0 : i32
    %scan3A_288 = arith.constant 0 : i32
    %scan3A_289 = arith.constant 1024 : i32
    %scan3A_290 = arith.addi %scan3A_288, %scan3A_289 : i32
    %scan3A_291 = arith.constant 1 : i32
    %scan3A_292 = scf.for %scan3A_575 = %scan3A_288 to %scan3A_290 step %scan3A_291 iter_args(%scan3A_576 = %scan3A_287) -> (i32)  : i32 {
      %jit3A_577 = arith.constant 8 : i32
      %div3A_578 = arith.divsi %scan3A_575, %jit3A_577 : i32
      %sign3A_579 = arith.constant 0 : i32
      %sign3A_580 = arith.cmpi sgt, %scan3A_575, %sign3A_579 : i32
      %sign3A_581 = arith.extui %sign3A_580 : i1 to i32
      %sign3A_582 = arith.constant 0 : i32
      %sign3A_583 = arith.cmpi slt, %scan3A_575, %sign3A_582 : i32
      %sign3A_584 = arith.extui %sign3A_583 : i1 to i32
      %sign3A_585 = arith.subi %sign3A_581, %sign3A_584 : i32
      %sign3A_586 = arith.constant 0 : i32
      %sign3A_587 = arith.cmpi sgt, %jit3A_577, %sign3A_586 : i32
      %sign3A_588 = arith.extui %sign3A_587 : i1 to i32
      %sign3A_589 = arith.constant 0 : i32
      %sign3A_590 = arith.cmpi slt, %jit3A_577, %sign3A_589 : i32
      %sign3A_591 = arith.extui %sign3A_590 : i1 to i32
      %sign3A_592 = arith.subi %sign3A_588, %sign3A_591 : i32
      %ne3A_593 = arith.cmpi ne, %sign3A_585, %sign3A_592 : i32
      %rem3A_594 = arith.remsi %scan3A_575, %jit3A_577 : i32
      %ne3A_595 = arith.constant 0 : i32
      %ne3A_596 = arith.cmpi ne, %rem3A_594, %ne3A_595 : i32
      %and3A_597 = arith.andi %ne3A_593, %ne3A_596 : i1
      %sub3A_598 = arith.constant 1 : i32
      %sub3A_599 = arith.subi %div3A_578, %sub3A_598 : i32
      %select_n3A_600 = arith.select %and3A_597, %sub3A_599, %div3A_578 : i32
      %jit3A_601 = arith.constant 8 : i32
      %eq3A = arith.constant 0 : i32
      %eq3A_602 = arith.cmpi eq, %jit3A_601, %eq3A : i32
      %jit3A_603 = arith.constant 1 : i32
      %select_n3A_604 = arith.select %eq3A_602, %jit3A_603, %jit3A_601 : i32
      %rem3A_605 = arith.remsi %scan3A_575, %select_n3A_604 : i32
      %ne3A_606 = arith.constant 0 : i32
      %ne3A_607 = arith.cmpi ne, %rem3A_605, %ne3A_606 : i32
      %lt3A_608 = arith.constant 0 : i32
      %lt3A_609 = arith.cmpi slt, %rem3A_605, %lt3A_608 : i32
      %lt3A_610 = arith.constant 0 : i32
      %lt3A_611 = arith.cmpi slt, %select_n3A_604, %lt3A_610 : i32
      %ne3A_612 = arith.xori %lt3A_609, %lt3A_611 : i1
      %and3A_613 = arith.andi %ne3A_612, %ne3A_607 : i1
      %add3A_614 = arith.addi %rem3A_605, %select_n3A_604 : i32
      %select_n3A_615 = arith.select %and3A_613, %add3A_614, %rem3A_605 : i32
      %mul3A_616 = arith.constant 16 : i32
      %mul3A_617 = arith.muli %select_n3A_615, %mul3A_616 : i32
      %swap3A = arith.index_cast %select_n3A_600 : i32 to index
      %swap3A_618 = arith.index_cast %mul3A_617 : i32 to index
      %swap3A_619 = tpu.vector_load %arg8[%swap3A, %swap3A_618] {strides = array<i32>} : memref<128x128xf32, #tpu.memory_space<vmem>>, vector<16xf32>,
      tpu.vector_store %arg8[%swap3A, %swap3A_618], %broadcast_in_dim3A_0 {strides = array<i32>} : memref<128x128xf32, #tpu.memory_space<vmem>>, vector<16xf32>,
      %scan3A_620 = arith.constant 0 : i32
      scf.yield %scan3A_620 : i32
    }
    %scan3A_293 = arith.constant 1024 : i32
    %iota3A_294 = tpu.iota {dimensions = array<i32: 0>} : vector<16xi32>
    %broadcast_in_dim3A_295 = arith.constant 1 : i32
    %broadcast_in_dim3A_296 = vector.broadcast %broadcast_in_dim3A_295 : i32 to vector<16xi32>
    %broadcast_in_dim3A_297 = arith.constant 0 : i32
    %broadcast_in_dim3A_298 = vector.broadcast %broadcast_in_dim3A_297 : i32 to vector<16xi32>
    %scan3A_299 = arith.constant 0 : i32
    %scan3A_300 = arith.constant 0 : i32
    %scan3A_301 = arith.constant 1280 : i32
    %scan3A_302 = arith.addi %scan3A_300, %scan3A_301 : i32
    %scan3A_303 = arith.constant 1 : i32
    %scan3A_304 = scf.for %scan3A_575 = %scan3A_300 to %scan3A_302 step %scan3A_303 iter_args(%scan3A_576 = %scan3A_299) -> (i32)  : i32 {
      %jit3A_577 = arith.constant 8 : i32
      %div3A_578 = arith.divsi %scan3A_575, %jit3A_577 : i32
      %sign3A_579 = arith.constant 0 : i32
      %sign3A_580 = arith.cmpi sgt, %scan3A_575, %sign3A_579 : i32
      %sign3A_581 = arith.extui %sign3A_580 : i1 to i32
      %sign3A_582 = arith.constant 0 : i32
      %sign3A_583 = arith.cmpi slt, %scan3A_575, %sign3A_582 : i32
      %sign3A_584 = arith.extui %sign3A_583 : i1 to i32
      %sign3A_585 = arith.subi %sign3A_581, %sign3A_584 : i32
      %sign3A_586 = arith.constant 0 : i32
      %sign3A_587 = arith.cmpi sgt, %jit3A_577, %sign3A_586 : i32
      %sign3A_588 = arith.extui %sign3A_587 : i1 to i32
      %sign3A_589 = arith.constant 0 : i32
      %sign3A_590 = arith.cmpi slt, %jit3A_577, %sign3A_589 : i32
      %sign3A_591 = arith.extui %sign3A_590 : i1 to i32
      %sign3A_592 = arith.subi %sign3A_588, %sign3A_591 : i32
      %ne3A_593 = arith.cmpi ne, %sign3A_585, %sign3A_592 : i32
      %rem3A_594 = arith.remsi %scan3A_575, %jit3A_577 : i32
      %ne3A_595 = arith.constant 0 : i32
      %ne3A_596 = arith.cmpi ne, %rem3A_594, %ne3A_595 : i32
      %and3A_597 = arith.andi %ne3A_593, %ne3A_596 : i1
      %sub3A_598 = arith.constant 1 : i32
      %sub3A_599 = arith.subi %div3A_578, %sub3A_598 : i32
      %select_n3A_600 = arith.select %and3A_597, %sub3A_599, %div3A_578 : i32
      %jit3A_601 = arith.constant 8 : i32
      %eq3A = arith.constant 0 : i32
      %eq3A_602 = arith.cmpi eq, %jit3A_601, %eq3A : i32
      %jit3A_603 = arith.constant 1 : i32
      %select_n3A_604 = arith.select %eq3A_602, %jit3A_603, %jit3A_601 : i32
      %rem3A_605 = arith.remsi %scan3A_575, %select_n3A_604 : i32
      %ne3A_606 = arith.constant 0 : i32
      %ne3A_607 = arith.cmpi ne, %rem3A_605, %ne3A_606 : i32
      %lt3A_608 = arith.constant 0 : i32
      %lt3A_609 = arith.cmpi slt, %rem3A_605, %lt3A_608 : i32
      %lt3A_610 = arith.constant 0 : i32
      %lt3A_611 = arith.cmpi slt, %select_n3A_604, %lt3A_610 : i32
      %ne3A_612 = arith.xori %lt3A_609, %lt3A_611 : i1
      %and3A_613 = arith.andi %ne3A_612, %ne3A_607 : i1
      %add3A_614 = arith.addi %rem3A_605, %select_n3A_604 : i32
      %select_n3A_615 = arith.select %and3A_613, %add3A_614, %rem3A_605 : i32
      %mul3A_616 = arith.constant 16 : i32
      %mul3A_617 = arith.muli %select_n3A_615, %mul3A_616 : i32
      %get3A = arith.index_cast %select_n3A_600 : i32 to index
      %get3A_618 = arith.index_cast %mul3A_617 : i32 to index
      %get3A_619 = tpu.vector_load %arg7[%get3A, %get3A_618] {strides = array<i32>} : memref<160x128xi32, #tpu.memory_space<vmem>>, vector<16xi32>,
      %get3A_620 = arith.index_cast %select_n3A_600 : i32 to index
      %get3A_621 = arith.index_cast %mul3A_617 : i32 to index
      %get3A_622 = tpu.vector_load %arg6[%get3A_620, %get3A_621] {strides = array<i32>} : memref<160x128xi32, #tpu.memory_space<vmem>>, vector<16xi32>,
      %sub3A_623 = arith.subi %get3A_619, %broadcast_in_dim3A_286 : vector<16xi32>
      %ge3A = arith.constant 0 : i32
      %ge3A_624 = vector.broadcast %ge3A : i32 to vector<16xi32>
      %ge3A_625 = arith.cmpi sge, %sub3A_623, %ge3A_624 : vector<16xi32>
      %lt3A_626 = arith.constant 2560 : i32
      %lt3A_627 = vector.broadcast %lt3A_626 : i32 to vector<16xi32>
      %lt3A_628 = arith.cmpi slt, %sub3A_623, %lt3A_627 : vector<16xi32>
      %and3A_629 = arith.andi %ge3A_625, %lt3A_628 : vector<16xi1>
      %select_n3A_630 = arith.select %and3A_629, %broadcast_in_dim3A_296, %broadcast_in_dim3A_298 : vector<16xi1>, vector<16xi32>
      %sub3A_631 = arith.constant 1 : i32
      %sub3A_632 = vector.broadcast %sub3A_631 : i32 to vector<16xi32>
      %sub3A_633 = arith.subi %iota3A_294, %sub3A_632 : vector<16xi32>
      %max3A = arith.constant 0 : i32
      %max3A_634 = vector.broadcast %max3A : i32 to vector<16xi32>
      %max3A_635 = arith.maxsi %sub3A_633, %max3A_634 : vector<16xi32>
      %broadcast_in_dim3A_636 = vector.shape_cast %max3A_635 : vector<16xi32> to vector<16x1xi32>
      %gather3A = vector.shape_cast %broadcast_in_dim3A_636 : vector<16x1xi32> to vector<16xi32>
      %gather3A_637 = tpu.dynamic_gather %select_n3A_630[%gather3A] in [0] : vector<16xi32>, vector<16xi32> -> vector<16xi32>
      %ge3A_638 = arith.constant 1 : i32
      %ge3A_639 = vector.broadcast %ge3A_638 : i32 to vector<16xi32>
      %ge3A_640 = arith.cmpi sge, %iota3A_294, %ge3A_639 : vector<16xi32>
      %select_n3A_641 = arith.select %ge3A_640, %gather3A_637, %broadcast_in_dim3A_298 : vector<16xi1>, vector<16xi32>
      %add3A_642 = arith.addi %select_n3A_630, %select_n3A_641 : vector<16xi32>
      %sub3A_643 = arith.constant 2 : i32
      %sub3A_644 = vector.broadcast %sub3A_643 : i32 to vector<16xi32>
      %sub3A_645 = arith.subi %iota3A_294, %sub3A_644 : vector<16xi32>
      %max3A_646 = arith.constant 0 : i32
      %max3A_647 = vector.broadcast %max3A_646 : i32 to vector<16xi32>
      %max3A_648 = arith.maxsi %sub3A_645, %max3A_647 : vector<16xi32>
      %broadcast_in_dim3A_649 = vector.shape_cast %max3A_648 : vector<16xi32> to vector<16x1xi32>
      %gather3A_650 = vector.shape_cast %broadcast_in_dim3A_649 : vector<16x1xi32> to vector<16xi32>
      %gather3A_651 = tpu.dynamic_gather %add3A_642[%gather3A_650] in [0] : vector<16xi32>, vector<16xi32> -> vector<16xi32>
      %ge3A_652 = arith.constant 2 : i32
      %ge3A_653 = vector.broadcast %ge3A_652 : i32 to vector<16xi32>
      %ge3A_654 = arith.cmpi sge, %iota3A_294, %ge3A_653 : vector<16xi32>
      %select_n3A_655 = arith.select %ge3A_654, %gather3A_651, %broadcast_in_dim3A_298 : vector<16xi1>, vector<16xi32>
      %add3A_656 = arith.addi %add3A_642, %select_n3A_655 : vector<16xi32>
      %sub3A_657 = arith.constant 4 : i32
      %sub3A_658 = vector.broadcast %sub3A_657 : i32 to vector<16xi32>
      %sub3A_659 = arith.subi %iota3A_294, %sub3A_658 : vector<16xi32>
      %max3A_660 = arith.constant 0 : i32
      %max3A_661 = vector.broadcast %max3A_660 : i32 to vector<16xi32>
      %max3A_662 = arith.maxsi %sub3A_659, %max3A_661 : vector<16xi32>
      %broadcast_in_dim3A_663 = vector.shape_cast %max3A_662 : vector<16xi32> to vector<16x1xi32>
      %gather3A_664 = vector.shape_cast %broadcast_in_dim3A_663 : vector<16x1xi32> to vector<16xi32>
      %gather3A_665 = tpu.dynamic_gather %add3A_656[%gather3A_664] in [0] : vector<16xi32>, vector<16xi32> -> vector<16xi32>
      %ge3A_666 = arith.constant 4 : i32
      %ge3A_667 = vector.broadcast %ge3A_666 : i32 to vector<16xi32>
      %ge3A_668 = arith.cmpi sge, %iota3A_294, %ge3A_667 : vector<16xi32>
      %select_n3A_669 = arith.select %ge3A_668, %gather3A_665, %broadcast_in_dim3A_298 : vector<16xi1>, vector<16xi32>
      %add3A_670 = arith.addi %add3A_656, %select_n3A_669 : vector<16xi32>
      %sub3A_671 = arith.constant 8 : i32
      %sub3A_672 = vector.broadcast %sub3A_671 : i32 to vector<16xi32>
      %sub3A_673 = arith.subi %iota3A_294, %sub3A_672 : vector<16xi32>
      %max3A_674 = arith.constant 0 : i32
      %max3A_675 = vector.broadcast %max3A_674 : i32 to vector<16xi32>
      %max3A_676 = arith.maxsi %sub3A_673, %max3A_675 : vector<16xi32>
      %broadcast_in_dim3A_677 = vector.shape_cast %max3A_676 : vector<16xi32> to vector<16x1xi32>
      %gather3A_678 = vector.shape_cast %broadcast_in_dim3A_677 : vector<16x1xi32> to vector<16xi32>
      %gather3A_679 = tpu.dynamic_gather %add3A_670[%gather3A_678] in [0] : vector<16xi32>, vector<16xi32> -> vector<16xi32>
      %ge3A_680 = arith.constant 8 : i32
      %ge3A_681 = vector.broadcast %ge3A_680 : i32 to vector<16xi32>
      %ge3A_682 = arith.cmpi sge, %iota3A_294, %ge3A_681 : vector<16xi32>
      %select_n3A_683 = arith.select %ge3A_682, %gather3A_679, %broadcast_in_dim3A_298 : vector<16xi1>, vector<16xi32>
      %add3A_684 = arith.addi %add3A_670, %select_n3A_683 : vector<16xi32>
      %broadcast_in_dim3A_685 = vector.broadcast %scan3A_576 : i32 to vector<16xi32>
      %add3A_686 = arith.addi %broadcast_in_dim3A_685, %add3A_684 : vector<16xi32>
      %sub3A_687 = arith.constant 1 : i32
      %sub3A_688 = vector.broadcast %sub3A_687 : i32 to vector<16xi32>
      %sub3A_689 = arith.subi %add3A_686, %sub3A_688 : vector<16xi32>
      %shift_right_arithmetic3A_690 = arith.constant 7 : i32
      %shift_right_arithmetic3A_691 = vector.broadcast %shift_right_arithmetic3A_690 : i32 to vector<16xi32>
      %shift_right_arithmetic3A_692 = arith.shrsi %sub3A_689, %shift_right_arithmetic3A_691 : vector<16xi32>
      %and3A_693 = arith.constant 127 : i32
      %and3A_694 = vector.broadcast %and3A_693 : i32 to vector<16xi32>
      %and3A_695 = arith.andi %sub3A_689, %and3A_694 : vector<16xi32>
      tpu.vector_store_idx %arg7[%shift_right_arithmetic3A_692, %and3A_695], %sub3A_623 masked %and3A_629 : memref<160x128xi32, #tpu.memory_space<vmem>>[vector<16xi32>, vector<16xi32>], vector<16xi32>, vector<16xi1>
      %shift_right_arithmetic3A_696 = arith.constant 7 : i32
      %shift_right_arithmetic3A_697 = vector.broadcast %shift_right_arithmetic3A_696 : i32 to vector<16xi32>
      %shift_right_arithmetic3A_698 = arith.shrsi %sub3A_689, %shift_right_arithmetic3A_697 : vector<16xi32>
      %and3A_699 = arith.constant 127 : i32
      %and3A_700 = vector.broadcast %and3A_699 : i32 to vector<16xi32>
      %and3A_701 = arith.andi %sub3A_689, %and3A_700 : vector<16xi32>
      tpu.vector_store_idx %arg6[%shift_right_arithmetic3A_698, %and3A_701], %get3A_622 masked %and3A_629 : memref<160x128xi32, #tpu.memory_space<vmem>>[vector<16xi32>, vector<16xi32>], vector<16xi32>, vector<16xi1>
      %slice3A = vector.extract_strided_slice %add3A_684 {offsets = [15], sizes = [1], strides = [1]} : vector<16xi32> to vector<1xi32>
      %squeeze3A = vector.extract %slice3A[0] : i32 from vector<1xi32>
      %add3A_702 = arith.addi %scan3A_576, %squeeze3A : i32
      scf.yield %add3A_702 : i32
    }
    %scan3A_305 = arith.constant 1280 : i32
    %add3A_306 = arith.constant 127 : i32
    %add3A_307 = arith.addi %scan3A_304, %add3A_306 : i32
    %jit3A_308 = arith.constant 128 : i32
    %div3A_309 = arith.divsi %add3A_307, %jit3A_308 : i32
    %sign3A_310 = arith.constant 0 : i32
    %sign3A_311 = arith.cmpi sgt, %add3A_307, %sign3A_310 : i32
    %sign3A_312 = arith.extui %sign3A_311 : i1 to i32
    %sign3A_313 = arith.constant 0 : i32
    %sign3A_314 = arith.cmpi slt, %add3A_307, %sign3A_313 : i32
    %sign3A_315 = arith.extui %sign3A_314 : i1 to i32
    %sign3A_316 = arith.subi %sign3A_312, %sign3A_315 : i32
    %sign3A_317 = arith.constant 0 : i32
    %sign3A_318 = arith.cmpi sgt, %jit3A_308, %sign3A_317 : i32
    %sign3A_319 = arith.extui %sign3A_318 : i1 to i32
    %sign3A_320 = arith.constant 0 : i32
    %sign3A_321 = arith.cmpi slt, %jit3A_308, %sign3A_320 : i32
    %sign3A_322 = arith.extui %sign3A_321 : i1 to i32
    %sign3A_323 = arith.subi %sign3A_319, %sign3A_322 : i32
    %ne3A_324 = arith.cmpi ne, %sign3A_316, %sign3A_323 : i32
    %rem3A_325 = arith.remsi %add3A_307, %jit3A_308 : i32
    %ne3A_326 = arith.constant 0 : i32
    %ne3A_327 = arith.cmpi ne, %rem3A_325, %ne3A_326 : i32
    %and3A_328 = arith.andi %ne3A_324, %ne3A_327 : i1
    %sub3A_329 = arith.constant 1 : i32
    %sub3A_330 = arith.subi %div3A_309, %sub3A_329 : i32
    %select_n3A_331 = arith.select %and3A_328, %sub3A_330, %div3A_309 : i32
    %mul3A_332 = arith.constant 128 : i32
    %mul3A_333 = arith.muli %select_n3A_331, %mul3A_332 : i32
    %broadcast_in_dim3A_334 = vector.broadcast %mul3A_333 : i32 to vector<16xi32>
    %broadcast_in_dim3A_335 = arith.constant 20479 : i32
    %broadcast_in_dim3A_336 = vector.broadcast %broadcast_in_dim3A_335 : i32 to vector<16xi32>
    %add3A_337 = arith.constant 0 : i32
    %add3A_338 = arith.addi %scan3A_304, %add3A_337 : i32
    %broadcast_in_dim3A_339 = vector.broadcast %add3A_338 : i32 to vector<16xi32>
    %add3A_340 = arith.addi %broadcast_in_dim3A_339, %iota3A_294 : vector<16xi32>
    %min3A_341 = arith.minsi %add3A_340, %broadcast_in_dim3A_336 : vector<16xi32>
    %add3A_342 = arith.constant 0 : i32
    %add3A_343 = arith.addi %scan3A_304, %add3A_342 : i32
    %broadcast_in_dim3A_344 = vector.broadcast %add3A_343 : i32 to vector<16xi32>
    %add3A_345 = arith.addi %broadcast_in_dim3A_344, %iota3A_294 : vector<16xi32>
    %lt3A_346 = arith.cmpi slt, %add3A_345, %broadcast_in_dim3A_334 : vector<16xi32>
    %shift_right_arithmetic3A_347 = arith.constant 7 : i32
    %shift_right_arithmetic3A_348 = vector.broadcast %shift_right_arithmetic3A_347 : i32 to vector<16xi32>
    %shift_right_arithmetic3A_349 = arith.shrsi %min3A_341, %shift_right_arithmetic3A_348 : vector<16xi32>
    %and3A_350 = arith.constant 127 : i32
    %and3A_351 = vector.broadcast %and3A_350 : i32 to vector<16xi32>
    %and3A_352 = arith.andi %min3A_341, %and3A_351 : vector<16xi32>
    tpu.vector_store_idx %arg7[%shift_right_arithmetic3A_349, %and3A_352], %broadcast_in_dim3A_4 masked %lt3A_346 : memref<160x128xi32, #tpu.memory_space<vmem>>[vector<16xi32>, vector<16xi32>], vector<16xi32>, vector<16xi1>
    %shift_right_arithmetic3A_353 = arith.constant 7 : i32
    %shift_right_arithmetic3A_354 = vector.broadcast %shift_right_arithmetic3A_353 : i32 to vector<16xi32>
    %shift_right_arithmetic3A_355 = arith.shrsi %min3A_341, %shift_right_arithmetic3A_354 : vector<16xi32>
    %and3A_356 = arith.constant 127 : i32
    %and3A_357 = vector.broadcast %and3A_356 : i32 to vector<16xi32>
    %and3A_358 = arith.andi %min3A_341, %and3A_357 : vector<16xi32>
    tpu.vector_store_idx %arg6[%shift_right_arithmetic3A_355, %and3A_358], %broadcast_in_dim3A_2 masked %lt3A_346 : memref<160x128xi32, #tpu.memory_space<vmem>>[vector<16xi32>, vector<16xi32>], vector<16xi32>, vector<16xi1>
    %add3A_359 = arith.constant 16 : i32
    %add3A_360 = arith.addi %scan3A_304, %add3A_359 : i32
    %broadcast_in_dim3A_361 = vector.broadcast %add3A_360 : i32 to vector<16xi32>
    %add3A_362 = arith.addi %broadcast_in_dim3A_361, %iota3A_294 : vector<16xi32>
    %min3A_363 = arith.minsi %add3A_362, %broadcast_in_dim3A_336 : vector<16xi32>
    %add3A_364 = arith.constant 16 : i32
    %add3A_365 = arith.addi %scan3A_304, %add3A_364 : i32
    %broadcast_in_dim3A_366 = vector.broadcast %add3A_365 : i32 to vector<16xi32>
    %add3A_367 = arith.addi %broadcast_in_dim3A_366, %iota3A_294 : vector<16xi32>
    %lt3A_368 = arith.cmpi slt, %add3A_367, %broadcast_in_dim3A_334 : vector<16xi32>
    %shift_right_arithmetic3A_369 = arith.constant 7 : i32
    %shift_right_arithmetic3A_370 = vector.broadcast %shift_right_arithmetic3A_369 : i32 to vector<16xi32>
    %shift_right_arithmetic3A_371 = arith.shrsi %min3A_363, %shift_right_arithmetic3A_370 : vector<16xi32>
    %and3A_372 = arith.constant 127 : i32
    %and3A_373 = vector.broadcast %and3A_372 : i32 to vector<16xi32>
    %and3A_374 = arith.andi %min3A_363, %and3A_373 : vector<16xi32>
    tpu.vector_store_idx %arg7[%shift_right_arithmetic3A_371, %and3A_374], %broadcast_in_dim3A_4 masked %lt3A_368 : memref<160x128xi32, #tpu.memory_space<vmem>>[vector<16xi32>, vector<16xi32>], vector<16xi32>, vector<16xi1>
    %shift_right_arithmetic3A_375 = arith.constant 7 : i32
    %shift_right_arithmetic3A_376 = vector.broadcast %shift_right_arithmetic3A_375 : i32 to vector<16xi32>
    %shift_right_arithmetic3A_377 = arith.shrsi %min3A_363, %shift_right_arithmetic3A_376 : vector<16xi32>
    %and3A_378 = arith.constant 127 : i32
    %and3A_379 = vector.broadcast %and3A_378 : i32 to vector<16xi32>
    %and3A_380 = arith.andi %min3A_363, %and3A_379 : vector<16xi32>
    tpu.vector_store_idx %arg6[%shift_right_arithmetic3A_377, %and3A_380], %broadcast_in_dim3A_2 masked %lt3A_368 : memref<160x128xi32, #tpu.memory_space<vmem>>[vector<16xi32>, vector<16xi32>], vector<16xi32>, vector<16xi1>
    %add3A_381 = arith.constant 32 : i32
    %add3A_382 = arith.addi %scan3A_304, %add3A_381 : i32
    %broadcast_in_dim3A_383 = vector.broadcast %add3A_382 : i32 to vector<16xi32>
    %add3A_384 = arith.addi %broadcast_in_dim3A_383, %iota3A_294 : vector<16xi32>
    %min3A_385 = arith.minsi %add3A_384, %broadcast_in_dim3A_336 : vector<16xi32>
    %add3A_386 = arith.constant 32 : i32
    %add3A_387 = arith.addi %scan3A_304, %add3A_386 : i32
    %broadcast_in_dim3A_388 = vector.broadcast %add3A_387 : i32 to vector<16xi32>
    %add3A_389 = arith.addi %broadcast_in_dim3A_388, %iota3A_294 : vector<16xi32>
    %lt3A_390 = arith.cmpi slt, %add3A_389, %broadcast_in_dim3A_334 : vector<16xi32>
    %shift_right_arithmetic3A_391 = arith.constant 7 : i32
    %shift_right_arithmetic3A_392 = vector.broadcast %shift_right_arithmetic3A_391 : i32 to vector<16xi32>
    %shift_right_arithmetic3A_393 = arith.shrsi %min3A_385, %shift_right_arithmetic3A_392 : vector<16xi32>
    %and3A_394 = arith.constant 127 : i32
    %and3A_395 = vector.broadcast %and3A_394 : i32 to vector<16xi32>
    %and3A_396 = arith.andi %min3A_385, %and3A_395 : vector<16xi32>
    tpu.vector_store_idx %arg7[%shift_right_arithmetic3A_393, %and3A_396], %broadcast_in_dim3A_4 masked %lt3A_390 : memref<160x128xi32, #tpu.memory_space<vmem>>[vector<16xi32>, vector<16xi32>], vector<16xi32>, vector<16xi1>
    %shift_right_arithmetic3A_397 = arith.constant 7 : i32
    %shift_right_arithmetic3A_398 = vector.broadcast %shift_right_arithmetic3A_397 : i32 to vector<16xi32>
    %shift_right_arithmetic3A_399 = arith.shrsi %min3A_385, %shift_right_arithmetic3A_398 : vector<16xi32>
    %and3A_400 = arith.constant 127 : i32
    %and3A_401 = vector.broadcast %and3A_400 : i32 to vector<16xi32>
    %and3A_402 = arith.andi %min3A_385, %and3A_401 : vector<16xi32>
    tpu.vector_store_idx %arg6[%shift_right_arithmetic3A_399, %and3A_402], %broadcast_in_dim3A_2 masked %lt3A_390 : memref<160x128xi32, #tpu.memory_space<vmem>>[vector<16xi32>, vector<16xi32>], vector<16xi32>, vector<16xi1>
    %add3A_403 = arith.constant 48 : i32
    %add3A_404 = arith.addi %scan3A_304, %add3A_403 : i32
    %broadcast_in_dim3A_405 = vector.broadcast %add3A_404 : i32 to vector<16xi32>
    %add3A_406 = arith.addi %broadcast_in_dim3A_405, %iota3A_294 : vector<16xi32>
    %min3A_407 = arith.minsi %add3A_406, %broadcast_in_dim3A_336 : vector<16xi32>
    %add3A_408 = arith.constant 48 : i32
    %add3A_409 = arith.addi %scan3A_304, %add3A_408 : i32
    %broadcast_in_dim3A_410 = vector.broadcast %add3A_409 : i32 to vector<16xi32>
    %add3A_411 = arith.addi %broadcast_in_dim3A_410, %iota3A_294 : vector<16xi32>
    %lt3A_412 = arith.cmpi slt, %add3A_411, %broadcast_in_dim3A_334 : vector<16xi32>
    %shift_right_arithmetic3A_413 = arith.constant 7 : i32
    %shift_right_arithmetic3A_414 = vector.broadcast %shift_right_arithmetic3A_413 : i32 to vector<16xi32>
    %shift_right_arithmetic3A_415 = arith.shrsi %min3A_407, %shift_right_arithmetic3A_414 : vector<16xi32>
    %and3A_416 = arith.constant 127 : i32
    %and3A_417 = vector.broadcast %and3A_416 : i32 to vector<16xi32>
    %and3A_418 = arith.andi %min3A_407, %and3A_417 : vector<16xi32>
    tpu.vector_store_idx %arg7[%shift_right_arithmetic3A_415, %and3A_418], %broadcast_in_dim3A_4 masked %lt3A_412 : memref<160x128xi32, #tpu.memory_space<vmem>>[vector<16xi32>, vector<16xi32>], vector<16xi32>, vector<16xi1>
    %shift_right_arithmetic3A_419 = arith.constant 7 : i32
    %shift_right_arithmetic3A_420 = vector.broadcast %shift_right_arithmetic3A_419 : i32 to vector<16xi32>
    %shift_right_arithmetic3A_421 = arith.shrsi %min3A_407, %shift_right_arithmetic3A_420 : vector<16xi32>
    %and3A_422 = arith.constant 127 : i32
    %and3A_423 = vector.broadcast %and3A_422 : i32 to vector<16xi32>
    %and3A_424 = arith.andi %min3A_407, %and3A_423 : vector<16xi32>
    tpu.vector_store_idx %arg6[%shift_right_arithmetic3A_421, %and3A_424], %broadcast_in_dim3A_2 masked %lt3A_412 : memref<160x128xi32, #tpu.memory_space<vmem>>[vector<16xi32>, vector<16xi32>], vector<16xi32>, vector<16xi1>
    %add3A_425 = arith.constant 64 : i32
    %add3A_426 = arith.addi %scan3A_304, %add3A_425 : i32
    %broadcast_in_dim3A_427 = vector.broadcast %add3A_426 : i32 to vector<16xi32>
    %add3A_428 = arith.addi %broadcast_in_dim3A_427, %iota3A_294 : vector<16xi32>
    %min3A_429 = arith.minsi %add3A_428, %broadcast_in_dim3A_336 : vector<16xi32>
    %add3A_430 = arith.constant 64 : i32
    %add3A_431 = arith.addi %scan3A_304, %add3A_430 : i32
    %broadcast_in_dim3A_432 = vector.broadcast %add3A_431 : i32 to vector<16xi32>
    %add3A_433 = arith.addi %broadcast_in_dim3A_432, %iota3A_294 : vector<16xi32>
    %lt3A_434 = arith.cmpi slt, %add3A_433, %broadcast_in_dim3A_334 : vector<16xi32>
    %shift_right_arithmetic3A_435 = arith.constant 7 : i32
    %shift_right_arithmetic3A_436 = vector.broadcast %shift_right_arithmetic3A_435 : i32 to vector<16xi32>
    %shift_right_arithmetic3A_437 = arith.shrsi %min3A_429, %shift_right_arithmetic3A_436 : vector<16xi32>
    %and3A_438 = arith.constant 127 : i32
    %and3A_439 = vector.broadcast %and3A_438 : i32 to vector<16xi32>
    %and3A_440 = arith.andi %min3A_429, %and3A_439 : vector<16xi32>
    tpu.vector_store_idx %arg7[%shift_right_arithmetic3A_437, %and3A_440], %broadcast_in_dim3A_4 masked %lt3A_434 : memref<160x128xi32, #tpu.memory_space<vmem>>[vector<16xi32>, vector<16xi32>], vector<16xi32>, vector<16xi1>
    %shift_right_arithmetic3A_441 = arith.constant 7 : i32
    %shift_right_arithmetic3A_442 = vector.broadcast %shift_right_arithmetic3A_441 : i32 to vector<16xi32>
    %shift_right_arithmetic3A_443 = arith.shrsi %min3A_429, %shift_right_arithmetic3A_442 : vector<16xi32>
    %and3A_444 = arith.constant 127 : i32
    %and3A_445 = vector.broadcast %and3A_444 : i32 to vector<16xi32>
    %and3A_446 = arith.andi %min3A_429, %and3A_445 : vector<16xi32>
    tpu.vector_store_idx %arg6[%shift_right_arithmetic3A_443, %and3A_446], %broadcast_in_dim3A_2 masked %lt3A_434 : memref<160x128xi32, #tpu.memory_space<vmem>>[vector<16xi32>, vector<16xi32>], vector<16xi32>, vector<16xi1>
    %add3A_447 = arith.constant 80 : i32
    %add3A_448 = arith.addi %scan3A_304, %add3A_447 : i32
    %broadcast_in_dim3A_449 = vector.broadcast %add3A_448 : i32 to vector<16xi32>
    %add3A_450 = arith.addi %broadcast_in_dim3A_449, %iota3A_294 : vector<16xi32>
    %min3A_451 = arith.minsi %add3A_450, %broadcast_in_dim3A_336 : vector<16xi32>
    %add3A_452 = arith.constant 80 : i32
    %add3A_453 = arith.addi %scan3A_304, %add3A_452 : i32
    %broadcast_in_dim3A_454 = vector.broadcast %add3A_453 : i32 to vector<16xi32>
    %add3A_455 = arith.addi %broadcast_in_dim3A_454, %iota3A_294 : vector<16xi32>
    %lt3A_456 = arith.cmpi slt, %add3A_455, %broadcast_in_dim3A_334 : vector<16xi32>
    %shift_right_arithmetic3A_457 = arith.constant 7 : i32
    %shift_right_arithmetic3A_458 = vector.broadcast %shift_right_arithmetic3A_457 : i32 to vector<16xi32>
    %shift_right_arithmetic3A_459 = arith.shrsi %min3A_451, %shift_right_arithmetic3A_458 : vector<16xi32>
    %and3A_460 = arith.constant 127 : i32
    %and3A_461 = vector.broadcast %and3A_460 : i32 to vector<16xi32>
    %and3A_462 = arith.andi %min3A_451, %and3A_461 : vector<16xi32>
    tpu.vector_store_idx %arg7[%shift_right_arithmetic3A_459, %and3A_462], %broadcast_in_dim3A_4 masked %lt3A_456 : memref<160x128xi32, #tpu.memory_space<vmem>>[vector<16xi32>, vector<16xi32>], vector<16xi32>, vector<16xi1>
    %shift_right_arithmetic3A_463 = arith.constant 7 : i32
    %shift_right_arithmetic3A_464 = vector.broadcast %shift_right_arithmetic3A_463 : i32 to vector<16xi32>
    %shift_right_arithmetic3A_465 = arith.shrsi %min3A_451, %shift_right_arithmetic3A_464 : vector<16xi32>
    %and3A_466 = arith.constant 127 : i32
    %and3A_467 = vector.broadcast %and3A_466 : i32 to vector<16xi32>
    %and3A_468 = arith.andi %min3A_451, %and3A_467 : vector<16xi32>
    tpu.vector_store_idx %arg6[%shift_right_arithmetic3A_465, %and3A_468], %broadcast_in_dim3A_2 masked %lt3A_456 : memref<160x128xi32, #tpu.memory_space<vmem>>[vector<16xi32>, vector<16xi32>], vector<16xi32>, vector<16xi1>
    %add3A_469 = arith.constant 96 : i32
    %add3A_470 = arith.addi %scan3A_304, %add3A_469 : i32
    %broadcast_in_dim3A_471 = vector.broadcast %add3A_470 : i32 to vector<16xi32>
    %add3A_472 = arith.addi %broadcast_in_dim3A_471, %iota3A_294 : vector<16xi32>
    %min3A_473 = arith.minsi %add3A_472, %broadcast_in_dim3A_336 : vector<16xi32>
    %add3A_474 = arith.constant 96 : i32
    %add3A_475 = arith.addi %scan3A_304, %add3A_474 : i32
    %broadcast_in_dim3A_476 = vector.broadcast %add3A_475 : i32 to vector<16xi32>
    %add3A_477 = arith.addi %broadcast_in_dim3A_476, %iota3A_294 : vector<16xi32>
    %lt3A_478 = arith.cmpi slt, %add3A_477, %broadcast_in_dim3A_334 : vector<16xi32>
    %shift_right_arithmetic3A_479 = arith.constant 7 : i32
    %shift_right_arithmetic3A_480 = vector.broadcast %shift_right_arithmetic3A_479 : i32 to vector<16xi32>
    %shift_right_arithmetic3A_481 = arith.shrsi %min3A_473, %shift_right_arithmetic3A_480 : vector<16xi32>
    %and3A_482 = arith.constant 127 : i32
    %and3A_483 = vector.broadcast %and3A_482 : i32 to vector<16xi32>
    %and3A_484 = arith.andi %min3A_473, %and3A_483 : vector<16xi32>
    tpu.vector_store_idx %arg7[%shift_right_arithmetic3A_481, %and3A_484], %broadcast_in_dim3A_4 masked %lt3A_478 : memref<160x128xi32, #tpu.memory_space<vmem>>[vector<16xi32>, vector<16xi32>], vector<16xi32>, vector<16xi1>
    %shift_right_arithmetic3A_485 = arith.constant 7 : i32
    %shift_right_arithmetic3A_486 = vector.broadcast %shift_right_arithmetic3A_485 : i32 to vector<16xi32>
    %shift_right_arithmetic3A_487 = arith.shrsi %min3A_473, %shift_right_arithmetic3A_486 : vector<16xi32>
    %and3A_488 = arith.constant 127 : i32
    %and3A_489 = vector.broadcast %and3A_488 : i32 to vector<16xi32>
    %and3A_490 = arith.andi %min3A_473, %and3A_489 : vector<16xi32>
    tpu.vector_store_idx %arg6[%shift_right_arithmetic3A_487, %and3A_490], %broadcast_in_dim3A_2 masked %lt3A_478 : memref<160x128xi32, #tpu.memory_space<vmem>>[vector<16xi32>, vector<16xi32>], vector<16xi32>, vector<16xi1>
    %add3A_491 = arith.constant 112 : i32
    %add3A_492 = arith.addi %scan3A_304, %add3A_491 : i32
    %broadcast_in_dim3A_493 = vector.broadcast %add3A_492 : i32 to vector<16xi32>
    %add3A_494 = arith.addi %broadcast_in_dim3A_493, %iota3A_294 : vector<16xi32>
    %min3A_495 = arith.minsi %add3A_494, %broadcast_in_dim3A_336 : vector<16xi32>
    %add3A_496 = arith.constant 112 : i32
    %add3A_497 = arith.addi %scan3A_304, %add3A_496 : i32
    %broadcast_in_dim3A_498 = vector.broadcast %add3A_497 : i32 to vector<16xi32>
    %add3A_499 = arith.addi %broadcast_in_dim3A_498, %iota3A_294 : vector<16xi32>
    %lt3A_500 = arith.cmpi slt, %add3A_499, %broadcast_in_dim3A_334 : vector<16xi32>
    %shift_right_arithmetic3A_501 = arith.constant 7 : i32
    %shift_right_arithmetic3A_502 = vector.broadcast %shift_right_arithmetic3A_501 : i32 to vector<16xi32>
    %shift_right_arithmetic3A_503 = arith.shrsi %min3A_495, %shift_right_arithmetic3A_502 : vector<16xi32>
    %and3A_504 = arith.constant 127 : i32
    %and3A_505 = vector.broadcast %and3A_504 : i32 to vector<16xi32>
    %and3A_506 = arith.andi %min3A_495, %and3A_505 : vector<16xi32>
    tpu.vector_store_idx %arg7[%shift_right_arithmetic3A_503, %and3A_506], %broadcast_in_dim3A_4 masked %lt3A_500 : memref<160x128xi32, #tpu.memory_space<vmem>>[vector<16xi32>, vector<16xi32>], vector<16xi32>, vector<16xi1>
    %shift_right_arithmetic3A_507 = arith.constant 7 : i32
    %shift_right_arithmetic3A_508 = vector.broadcast %shift_right_arithmetic3A_507 : i32 to vector<16xi32>
    %shift_right_arithmetic3A_509 = arith.shrsi %min3A_495, %shift_right_arithmetic3A_508 : vector<16xi32>
    %and3A_510 = arith.constant 127 : i32
    %and3A_511 = vector.broadcast %and3A_510 : i32 to vector<16xi32>
    %and3A_512 = arith.andi %min3A_495, %and3A_511 : vector<16xi32>
    tpu.vector_store_idx %arg6[%shift_right_arithmetic3A_509, %and3A_512], %broadcast_in_dim3A_2 masked %lt3A_500 : memref<160x128xi32, #tpu.memory_space<vmem>>[vector<16xi32>, vector<16xi32>], vector<16xi32>, vector<16xi1>
    %mul3A_513 = arith.constant 168 : i32
    %mul3A_514 = arith.muli %arg1, %mul3A_513 : i32
    "tpu.region"() ({
      %run_scoped3A = tpu.sem_alloc : memref<!tpu.dma_semaphore, #tpu.memory_space<semaphore_mem>>
      %dma_start3A = arith.constant 0 : i32
      %dma_start3A_575 = tpu.memref_slice %arg10[%mul3A_514, %dma_start3A] : memref<2688x128xf32, #tpu.memory_space<vmem_shared>> -> memref<128x128xf32, #tpu.memory_space<vmem_shared>>
      %dma_start3A_576 = arith.constant 0 : i32
      %dma_start3A_577 = tpu.memref_slice %arg10[%mul3A_514, %dma_start3A_576] : memref<2688x128xf32, #tpu.memory_space<vmem_shared>> -> memref<128x128xf32, #tpu.memory_space<vmem_shared>>
      tpu.enqueue_dma source(%arg8 : memref<128x128xf32, #tpu.memory_space<vmem>>) target(%dma_start3A_577 : memref<128x128xf32, #tpu.memory_space<vmem_shared>>) target_semaphore(%run_scoped3A : memref<!tpu.dma_semaphore, #tpu.memory_space<semaphore_mem>>)
      %dma_wait3A = arith.constant 0 : i32
      %dma_wait3A_578 = tpu.memref_slice %arg10[%mul3A_514, %dma_wait3A] : memref<2688x128xf32, #tpu.memory_space<vmem_shared>> -> memref<128x128xf32, #tpu.memory_space<vmem_shared>>
      %dma_wait3A_579 = arith.constant 0 : i32
      %dma_wait3A_580 = tpu.memref_slice %arg10[%mul3A_514, %dma_wait3A_579] : memref<2688x128xf32, #tpu.memory_space<vmem_shared>> -> memref<128x128xf32, #tpu.memory_space<vmem_shared>>
      tpu.wait_dma2 semaphore(%run_scoped3A : memref<!tpu.dma_semaphore, #tpu.memory_space<semaphore_mem>>) src(%arg8 : memref<128x128xf32, #tpu.memory_space<vmem>>) dst(%dma_wait3A_580 : memref<128x128xf32, #tpu.memory_space<vmem_shared>>)
      tpu.yield
    }) : () -> ()
    %mul3A_515 = arith.constant 168 : i32
    %mul3A_516 = arith.muli %arg1, %mul3A_515 : i32
    %add3A_517 = arith.constant 128 : i32
    %add3A_518 = arith.addi %mul3A_516, %add3A_517 : i32
    "tpu.region"() ({
      %run_scoped3A = tpu.sem_alloc : memref<!tpu.dma_semaphore, #tpu.memory_space<semaphore_mem>>
      %dma_start3A = arith.constant 0 : i32
      %dma_start3A_575 = arith.constant 0 : i32
      %dma_start3A_576 = tpu.memref_slice %arg8[%dma_start3A, %dma_start3A_575] : memref<128x128xf32, #tpu.memory_space<vmem>> -> memref<40x128xf32, #tpu.memory_space<vmem>>
      %dma_start3A_577 = arith.constant 0 : i32
      %dma_start3A_578 = tpu.memref_slice %arg10[%add3A_518, %dma_start3A_577] : memref<2688x128xf32, #tpu.memory_space<vmem_shared>> -> memref<40x128xf32, #tpu.memory_space<vmem_shared>>
      %dma_start3A_579 = arith.constant 0 : i32
      %dma_start3A_580 = tpu.memref_slice %arg10[%add3A_518, %dma_start3A_579] : memref<2688x128xf32, #tpu.memory_space<vmem_shared>> -> memref<40x128xf32, #tpu.memory_space<vmem_shared>>
      %dma_start3A_581 = arith.constant 0 : i32
      %dma_start3A_582 = arith.constant 0 : i32
      %dma_start3A_583 = tpu.memref_slice %arg8[%dma_start3A_581, %dma_start3A_582] : memref<128x128xf32, #tpu.memory_space<vmem>> -> memref<40x128xf32, #tpu.memory_space<vmem>>
      tpu.enqueue_dma source(%dma_start3A_583 : memref<40x128xf32, #tpu.memory_space<vmem>>) target(%dma_start3A_580 : memref<40x128xf32, #tpu.memory_space<vmem_shared>>) target_semaphore(%run_scoped3A : memref<!tpu.dma_semaphore, #tpu.memory_space<semaphore_mem>>)
      %dma_wait3A = arith.constant 0 : i32
      %dma_wait3A_584 = arith.constant 0 : i32
      %dma_wait3A_585 = tpu.memref_slice %arg8[%dma_wait3A, %dma_wait3A_584] : memref<128x128xf32, #tpu.memory_space<vmem>> -> memref<40x128xf32, #tpu.memory_space<vmem>>
      %dma_wait3A_586 = arith.constant 0 : i32
      %dma_wait3A_587 = tpu.memref_slice %arg10[%add3A_518, %dma_wait3A_586] : memref<2688x128xf32, #tpu.memory_space<vmem_shared>> -> memref<40x128xf32, #tpu.memory_space<vmem_shared>>
      %dma_wait3A_588 = arith.constant 0 : i32
      %dma_wait3A_589 = tpu.memref_slice %arg10[%add3A_518, %dma_wait3A_588] : memref<2688x128xf32, #tpu.memory_space<vmem_shared>> -> memref<40x128xf32, #tpu.memory_space<vmem_shared>>
      %dma_wait3A_590 = arith.constant 0 : i32
      %dma_wait3A_591 = arith.constant 0 : i32
      %dma_wait3A_592 = tpu.memref_slice %arg8[%dma_wait3A_590, %dma_wait3A_591] : memref<128x128xf32, #tpu.memory_space<vmem>> -> memref<40x128xf32, #tpu.memory_space<vmem>>
      tpu.wait_dma2 semaphore(%run_scoped3A : memref<!tpu.dma_semaphore, #tpu.memory_space<semaphore_mem>>) src(%dma_wait3A_592 : memref<40x128xf32, #tpu.memory_space<vmem>>) dst(%dma_wait3A_589 : memref<40x128xf32, #tpu.memory_space<vmem_shared>>)
      tpu.yield
    }) : () -> ()
    %barrier3A_519 = arith.constant 0 : index
    tpu.barrier barrier_id(%barrier3A_519)
    %gt3A_520 = arith.constant 0 : i32
    %gt3A_521 = arith.cmpi sgt, %select_n3A_331, %gt3A_520 : i32
    %convert_element_type3A_522 = arith.extui %gt3A_521 : i1 to i32
    %cond3A_523 = arith.constant 0 : i32
    %cond3A_524 = arith.cmpi ne, %convert_element_type3A_522, %cond3A_523 : i32
    scf.if %cond3A_524 {
      %dma_start3A = arith.constant 0 : i32
      %dma_start3A_575 = arith.constant 0 : i32
      %dma_start3A_576 = tpu.memref_slice %arg6[%dma_start3A, %dma_start3A_575] : memref<160x128xi32, #tpu.memory_space<vmem>> -> memref<1x128xi32, #tpu.memory_space<vmem>>
      %dma_start3A_577 = tpu.memref_squeeze %dma_start3A_576 : memref<1x128xi32, #tpu.memory_space<vmem>> -> memref<128xi32, #tpu.memory_space<vmem>>
      %dma_start3A_578 = arith.constant 0 : i32
      %dma_start3A_579 = arith.constant 0 : i32
      %dma_start3A_580 = tpu.memref_slice %arg2[%dma_start3A_578, %dma_start3A_579] : memref<10000x128xf32, #tpu.memory_space<hbm>> -> memref<10000x128xf32, #tpu.memory_space<hbm>>
      tpu.enqueue_indirect_dma source(%dma_start3A_580 : memref<10000x128xf32, #tpu.memory_space<hbm>>) target(%arg8 : memref<128x128xf32, #tpu.memory_space<vmem>>) offsets(%dma_start3A_577 : memref<128xi32, #tpu.memory_space<vmem>>) semaphore(%arg11 : memref<!tpu.dma_semaphore, #tpu.memory_space<semaphore_mem>>)
    } else {
    }
    %gt3A_525 = arith.constant 1 : i32
    %gt3A_526 = arith.cmpi sgt, %select_n3A_331, %gt3A_525 : i32
    %convert_element_type3A_527 = arith.extui %gt3A_526 : i1 to i32
    %cond3A_528 = arith.constant 0 : i32
    %cond3A_529 = arith.cmpi ne, %convert_element_type3A_527, %cond3A_528 : i32
    scf.if %cond3A_529 {
      %dma_start3A = arith.constant 1 : i32
      %dma_start3A_575 = arith.constant 0 : i32
      %dma_start3A_576 = tpu.memref_slice %arg6[%dma_start3A, %dma_start3A_575] : memref<160x128xi32, #tpu.memory_space<vmem>> -> memref<1x128xi32, #tpu.memory_space<vmem>>
      %dma_start3A_577 = tpu.memref_squeeze %dma_start3A_576 : memref<1x128xi32, #tpu.memory_space<vmem>> -> memref<128xi32, #tpu.memory_space<vmem>>
      %dma_start3A_578 = arith.constant 0 : i32
      %dma_start3A_579 = arith.constant 0 : i32
      %dma_start3A_580 = tpu.memref_slice %arg2[%dma_start3A_578, %dma_start3A_579] : memref<10000x128xf32, #tpu.memory_space<hbm>> -> memref<10000x128xf32, #tpu.memory_space<hbm>>
      tpu.enqueue_indirect_dma source(%dma_start3A_580 : memref<10000x128xf32, #tpu.memory_space<hbm>>) target(%arg9 : memref<128x128xf32, #tpu.memory_space<vmem>>) offsets(%dma_start3A_577 : memref<128xi32, #tpu.memory_space<vmem>>) semaphore(%arg12 : memref<!tpu.dma_semaphore, #tpu.memory_space<semaphore_mem>>)
    } else {
    }
    %add3A_530 = arith.constant 1 : i32
    %add3A_531 = arith.addi %select_n3A_331, %add3A_530 : i32
    %jit3A_532 = arith.constant 2 : i32
    %div3A_533 = arith.divsi %add3A_531, %jit3A_532 : i32
    %sign3A_534 = arith.constant 0 : i32
    %sign3A_535 = arith.cmpi sgt, %add3A_531, %sign3A_534 : i32
    %sign3A_536 = arith.extui %sign3A_535 : i1 to i32
    %sign3A_537 = arith.constant 0 : i32
    %sign3A_538 = arith.cmpi slt, %add3A_531, %sign3A_537 : i32
    %sign3A_539 = arith.extui %sign3A_538 : i1 to i32
    %sign3A_540 = arith.subi %sign3A_536, %sign3A_539 : i32
    %sign3A_541 = arith.constant 0 : i32
    %sign3A_542 = arith.cmpi sgt, %jit3A_532, %sign3A_541 : i32
    %sign3A_543 = arith.extui %sign3A_542 : i1 to i32
    %sign3A_544 = arith.constant 0 : i32
    %sign3A_545 = arith.cmpi slt, %jit3A_532, %sign3A_544 : i32
    %sign3A_546 = arith.extui %sign3A_545 : i1 to i32
    %sign3A_547 = arith.subi %sign3A_543, %sign3A_546 : i32
    %ne3A_548 = arith.cmpi ne, %sign3A_540, %sign3A_547 : i32
    %rem3A_549 = arith.remsi %add3A_531, %jit3A_532 : i32
    %ne3A_550 = arith.constant 0 : i32
    %ne3A_551 = arith.cmpi ne, %rem3A_549, %ne3A_550 : i32
    %and3A_552 = arith.andi %ne3A_548, %ne3A_551 : i1
    %sub3A_553 = arith.constant 1 : i32
    %sub3A_554 = arith.subi %div3A_533, %sub3A_553 : i32
    %select_n3A_555 = arith.select %and3A_552, %sub3A_554, %div3A_533 : i32
    %while3A_556 = arith.constant 0 : i32
    %while3A_557 = arith.constant 0 : i32
    %while3A_558 = arith.subi %select_n3A_555, %while3A_556 : i32
    %while3A_559 = arith.addi %while3A_556, %while3A_558 : i32
    %while3A_560 = arith.constant 1 : i32
    %while3A_561 = arith.divsi %while3A_558, %while3A_560 : i32
    %while3A_562 = arith.muli %while3A_561, %while3A_560 : i32
    %while3A_563 = arith.addi %while3A_556, %while3A_562 : i32
    %while3A_564 = arith.constant 1 : i32
    %while3A_565 = scf.for %while3A_575 = %while3A_556 to %while3A_563 step %while3A_564 iter_args(%while3A_576 = %while3A_557) -> (i32)  : i32 {
      %mul3A_577 = arith.constant 2 : i32
      %mul3A_578 = arith.muli %while3A_575, %mul3A_577 : i32
      %add3A_579 = arith.constant 0 : i32
      %add3A_580 = arith.addi %mul3A_578, %add3A_579 : i32
      %lt3A_581 = arith.cmpi slt, %add3A_580, %select_n3A_331 : i32
      %convert_element_type3A_582 = arith.extui %lt3A_581 : i1 to i32
      %cond3A_583 = arith.constant 0 : i32
      %cond3A_584 = arith.cmpi ne, %convert_element_type3A_582, %cond3A_583 : i32
      scf.if %cond3A_584 {
        %add3A_604 = arith.constant 0 : i32
        %add3A_605 = arith.addi %mul3A_578, %add3A_604 : i32
        %dma_wait3A = arith.constant 0 : i32
        %dma_wait3A_606 = tpu.memref_slice %arg6[%add3A_605, %dma_wait3A] : memref<160x128xi32, #tpu.memory_space<vmem>> -> memref<1x128xi32, #tpu.memory_space<vmem>>
        %dma_wait3A_607 = tpu.memref_squeeze %dma_wait3A_606 : memref<1x128xi32, #tpu.memory_space<vmem>> -> memref<128xi32, #tpu.memory_space<vmem>>
        %dma_wait3A_608 = arith.constant 0 : i32
        %dma_wait3A_609 = arith.constant 0 : i32
        %dma_wait3A_610 = tpu.memref_slice %arg2[%dma_wait3A_608, %dma_wait3A_609] : memref<10000x128xf32, #tpu.memory_space<hbm>> -> memref<10000x128xf32, #tpu.memory_space<hbm>>
        tpu.wait_indirect_dma semaphore(%arg11 : memref<!tpu.dma_semaphore, #tpu.memory_space<semaphore_mem>>) src(%dma_wait3A_610 : memref<10000x128xf32, #tpu.memory_space<hbm>>) dst(%arg8 : memref<128x128xf32, #tpu.memory_space<vmem>>)
        %add3A_611 = arith.constant 0 : i32
        %add3A_612 = arith.addi %mul3A_578, %add3A_611 : i32
        %dma_start3A = arith.constant 0 : i32
        %dma_start3A_613 = tpu.memref_slice %arg7[%add3A_612, %dma_start3A] : memref<160x128xi32, #tpu.memory_space<vmem>> -> memref<1x128xi32, #tpu.memory_space<vmem>>
        %dma_start3A_614 = tpu.memref_squeeze %dma_start3A_613 : memref<1x128xi32, #tpu.memory_space<vmem>> -> memref<128xi32, #tpu.memory_space<vmem>>
        %dma_start3A_615 = arith.constant 0 : i32
        %dma_start3A_616 = arith.constant 0 : i32
        %dma_start3A_617 = tpu.memref_slice %arg10[%dma_start3A_615, %dma_start3A_616] : memref<2688x128xf32, #tpu.memory_space<vmem_shared>> -> memref<2688x128xf32, #tpu.memory_space<vmem_shared>>
        tpu.enqueue_indirect_dma source(%arg8 : memref<128x128xf32, #tpu.memory_space<vmem>>) target(%dma_start3A_617 : memref<2688x128xf32, #tpu.memory_space<vmem_shared>>) offsets(%dma_start3A_614 : memref<128xi32, #tpu.memory_space<vmem>>) semaphore(%arg13 : memref<!tpu.dma_semaphore, #tpu.memory_space<semaphore_mem>>) {add = true}
      } else {
      }
      %add3A_585 = arith.constant 1 : i32
      %add3A_586 = arith.addi %mul3A_578, %add3A_585 : i32
      %lt3A_587 = arith.cmpi slt, %add3A_586, %select_n3A_331 : i32
      %convert_element_type3A_588 = arith.extui %lt3A_587 : i1 to i32
      %cond3A_589 = arith.constant 0 : i32
      %cond3A_590 = arith.cmpi ne, %convert_element_type3A_588, %cond3A_589 : i32
      scf.if %cond3A_590 {
        %add3A_604 = arith.constant 1 : i32
        %add3A_605 = arith.addi %mul3A_578, %add3A_604 : i32
        %dma_wait3A = arith.constant 0 : i32
        %dma_wait3A_606 = tpu.memref_slice %arg6[%add3A_605, %dma_wait3A] : memref<160x128xi32, #tpu.memory_space<vmem>> -> memref<1x128xi32, #tpu.memory_space<vmem>>
        %dma_wait3A_607 = tpu.memref_squeeze %dma_wait3A_606 : memref<1x128xi32, #tpu.memory_space<vmem>> -> memref<128xi32, #tpu.memory_space<vmem>>
        %dma_wait3A_608 = arith.constant 0 : i32
        %dma_wait3A_609 = arith.constant 0 : i32
        %dma_wait3A_610 = tpu.memref_slice %arg2[%dma_wait3A_608, %dma_wait3A_609] : memref<10000x128xf32, #tpu.memory_space<hbm>> -> memref<10000x128xf32, #tpu.memory_space<hbm>>
        tpu.wait_indirect_dma semaphore(%arg12 : memref<!tpu.dma_semaphore, #tpu.memory_space<semaphore_mem>>) src(%dma_wait3A_610 : memref<10000x128xf32, #tpu.memory_space<hbm>>) dst(%arg9 : memref<128x128xf32, #tpu.memory_space<vmem>>)
        %add3A_611 = arith.constant 1 : i32
        %add3A_612 = arith.addi %mul3A_578, %add3A_611 : i32
        %dma_start3A = arith.constant 0 : i32
        %dma_start3A_613 = tpu.memref_slice %arg7[%add3A_612, %dma_start3A] : memref<160x128xi32, #tpu.memory_space<vmem>> -> memref<1x128xi32, #tpu.memory_space<vmem>>
        %dma_start3A_614 = tpu.memref_squeeze %dma_start3A_613 : memref<1x128xi32, #tpu.memory_space<vmem>> -> memref<128xi32, #tpu.memory_space<vmem>>
        %dma_start3A_615 = arith.constant 0 : i32
        %dma_start3A_616 = arith.constant 0 : i32
        %dma_start3A_617 = tpu.memref_slice %arg10[%dma_start3A_615, %dma_start3A_616] : memref<2688x128xf32, #tpu.memory_space<vmem_shared>> -> memref<2688x128xf32, #tpu.memory_space<vmem_shared>>
        tpu.enqueue_indirect_dma source(%arg9 : memref<128x128xf32, #tpu.memory_space<vmem>>) target(%dma_start3A_617 : memref<2688x128xf32, #tpu.memory_space<vmem_shared>>) offsets(%dma_start3A_614 : memref<128xi32, #tpu.memory_space<vmem>>) semaphore(%arg14 : memref<!tpu.dma_semaphore, #tpu.memory_space<semaphore_mem>>) {add = true}
      } else {
      }
      %add3A_591 = arith.constant 0 : i32
      %add3A_592 = arith.addi %mul3A_578, %add3A_591 : i32
      %lt3A_593 = arith.cmpi slt, %add3A_592, %select_n3A_331 : i32
      %convert_element_type3A_594 = arith.extui %lt3A_593 : i1 to i32
      %cond3A_595 = arith.constant 0 : i32
      %cond3A_596 = arith.cmpi ne, %convert_element_type3A_594, %cond3A_595 : i32
      scf.if %cond3A_596 {
        %add3A_604 = arith.constant 0 : i32
        %add3A_605 = arith.addi %mul3A_578, %add3A_604 : i32
        %dma_wait3A = arith.constant 0 : i32
        %dma_wait3A_606 = tpu.memref_slice %arg7[%add3A_605, %dma_wait3A] : memref<160x128xi32, #tpu.memory_space<vmem>> -> memref<1x128xi32, #tpu.memory_space<vmem>>
        %dma_wait3A_607 = tpu.memref_squeeze %dma_wait3A_606 : memref<1x128xi32, #tpu.memory_space<vmem>> -> memref<128xi32, #tpu.memory_space<vmem>>
        %dma_wait3A_608 = arith.constant 0 : i32
        %dma_wait3A_609 = arith.constant 0 : i32
        %dma_wait3A_610 = tpu.memref_slice %arg10[%dma_wait3A_608, %dma_wait3A_609] : memref<2688x128xf32, #tpu.memory_space<vmem_shared>> -> memref<2688x128xf32, #tpu.memory_space<vmem_shared>>
        tpu.wait_indirect_dma semaphore(%arg13 : memref<!tpu.dma_semaphore, #tpu.memory_space<semaphore_mem>>) src(%arg8 : memref<128x128xf32, #tpu.memory_space<vmem>>) dst(%dma_wait3A_610 : memref<2688x128xf32, #tpu.memory_space<vmem_shared>>)
        %add3A_611 = arith.constant 2 : i32
        %add3A_612 = arith.addi %mul3A_578, %add3A_611 : i32
        %add3A_613 = arith.constant 0 : i32
        %add3A_614 = arith.addi %add3A_612, %add3A_613 : i32
        %lt3A_615 = arith.cmpi slt, %add3A_614, %select_n3A_331 : i32
        %convert_element_type3A_616 = arith.extui %lt3A_615 : i1 to i32
        %cond3A_617 = arith.constant 0 : i32
        %cond3A_618 = arith.cmpi ne, %convert_element_type3A_616, %cond3A_617 : i32
        scf.if %cond3A_618 {
          %add3A_619 = arith.constant 2 : i32
          %add3A_620 = arith.addi %mul3A_578, %add3A_619 : i32
          %add3A_621 = arith.constant 0 : i32
          %add3A_622 = arith.addi %add3A_620, %add3A_621 : i32
          %dma_start3A = arith.constant 0 : i32
          %dma_start3A_623 = tpu.memref_slice %arg6[%add3A_622, %dma_start3A] : memref<160x128xi32, #tpu.memory_space<vmem>> -> memref<1x128xi32, #tpu.memory_space<vmem>>
          %dma_start3A_624 = tpu.memref_squeeze %dma_start3A_623 : memref<1x128xi32, #tpu.memory_space<vmem>> -> memref<128xi32, #tpu.memory_space<vmem>>
          %dma_start3A_625 = arith.constant 0 : i32
          %dma_start3A_626 = arith.constant 0 : i32
          %dma_start3A_627 = tpu.memref_slice %arg2[%dma_start3A_625, %dma_start3A_626] : memref<10000x128xf32, #tpu.memory_space<hbm>> -> memref<10000x128xf32, #tpu.memory_space<hbm>>
          tpu.enqueue_indirect_dma source(%dma_start3A_627 : memref<10000x128xf32, #tpu.memory_space<hbm>>) target(%arg8 : memref<128x128xf32, #tpu.memory_space<vmem>>) offsets(%dma_start3A_624 : memref<128xi32, #tpu.memory_space<vmem>>) semaphore(%arg11 : memref<!tpu.dma_semaphore, #tpu.memory_space<semaphore_mem>>)
        } else {
        }
      } else {
      }
      %add3A_597 = arith.constant 1 : i32
      %add3A_598 = arith.addi %mul3A_578, %add3A_597 : i32
      %lt3A_599 = arith.cmpi slt, %add3A_598, %select_n3A_331 : i32
      %convert_element_type3A_600 = arith.extui %lt3A_599 : i1 to i32
      %cond3A_601 = arith.constant 0 : i32
      %cond3A_602 = arith.cmpi ne, %convert_element_type3A_600, %cond3A_601 : i32
      scf.if %cond3A_602 {
        %add3A_604 = arith.constant 1 : i32
        %add3A_605 = arith.addi %mul3A_578, %add3A_604 : i32
        %dma_wait3A = arith.constant 0 : i32
        %dma_wait3A_606 = tpu.memref_slice %arg7[%add3A_605, %dma_wait3A] : memref<160x128xi32, #tpu.memory_space<vmem>> -> memref<1x128xi32, #tpu.memory_space<vmem>>
        %dma_wait3A_607 = tpu.memref_squeeze %dma_wait3A_606 : memref<1x128xi32, #tpu.memory_space<vmem>> -> memref<128xi32, #tpu.memory_space<vmem>>
        %dma_wait3A_608 = arith.constant 0 : i32
        %dma_wait3A_609 = arith.constant 0 : i32
        %dma_wait3A_610 = tpu.memref_slice %arg10[%dma_wait3A_608, %dma_wait3A_609] : memref<2688x128xf32, #tpu.memory_space<vmem_shared>> -> memref<2688x128xf32, #tpu.memory_space<vmem_shared>>
        tpu.wait_indirect_dma semaphore(%arg14 : memref<!tpu.dma_semaphore, #tpu.memory_space<semaphore_mem>>) src(%arg9 : memref<128x128xf32, #tpu.memory_space<vmem>>) dst(%dma_wait3A_610 : memref<2688x128xf32, #tpu.memory_space<vmem_shared>>)
        %add3A_611 = arith.constant 2 : i32
        %add3A_612 = arith.addi %mul3A_578, %add3A_611 : i32
        %add3A_613 = arith.constant 1 : i32
        %add3A_614 = arith.addi %add3A_612, %add3A_613 : i32
        %lt3A_615 = arith.cmpi slt, %add3A_614, %select_n3A_331 : i32
        %convert_element_type3A_616 = arith.extui %lt3A_615 : i1 to i32
        %cond3A_617 = arith.constant 0 : i32
        %cond3A_618 = arith.cmpi ne, %convert_element_type3A_616, %cond3A_617 : i32
        scf.if %cond3A_618 {
          %add3A_619 = arith.constant 2 : i32
          %add3A_620 = arith.addi %mul3A_578, %add3A_619 : i32
          %add3A_621 = arith.constant 1 : i32
          %add3A_622 = arith.addi %add3A_620, %add3A_621 : i32
          %dma_start3A = arith.constant 0 : i32
          %dma_start3A_623 = tpu.memref_slice %arg6[%add3A_622, %dma_start3A] : memref<160x128xi32, #tpu.memory_space<vmem>> -> memref<1x128xi32, #tpu.memory_space<vmem>>
          %dma_start3A_624 = tpu.memref_squeeze %dma_start3A_623 : memref<1x128xi32, #tpu.memory_space<vmem>> -> memref<128xi32, #tpu.memory_space<vmem>>
          %dma_start3A_625 = arith.constant 0 : i32
          %dma_start3A_626 = arith.constant 0 : i32
          %dma_start3A_627 = tpu.memref_slice %arg2[%dma_start3A_625, %dma_start3A_626] : memref<10000x128xf32, #tpu.memory_space<hbm>> -> memref<10000x128xf32, #tpu.memory_space<hbm>>
          tpu.enqueue_indirect_dma source(%dma_start3A_627 : memref<10000x128xf32, #tpu.memory_space<hbm>>) target(%arg9 : memref<128x128xf32, #tpu.memory_space<vmem>>) offsets(%dma_start3A_624 : memref<128xi32, #tpu.memory_space<vmem>>) semaphore(%arg12 : memref<!tpu.dma_semaphore, #tpu.memory_space<semaphore_mem>>)
        } else {
        }
      } else {
      }
      %while3A_603 = arith.constant 0 : i32
      scf.yield %while3A_603 : i32
    }
    %while3A_566 = arith.constant 1 : i32
    %while3A_567 = scf.for %while3A_575 = %while3A_563 to %while3A_559 step %while3A_566 iter_args(%while3A_576 = %while3A_565) -> (i32)  : i32 {
      %mul3A_577 = arith.constant 2 : i32
      %mul3A_578 = arith.muli %while3A_575, %mul3A_577 : i32
      %add3A_579 = arith.constant 0 : i32
      %add3A_580 = arith.addi %mul3A_578, %add3A_579 : i32
      %lt3A_581 = arith.cmpi slt, %add3A_580, %select_n3A_331 : i32
      %convert_element_type3A_582 = arith.extui %lt3A_581 : i1 to i32
      %cond3A_583 = arith.constant 0 : i32
      %cond3A_584 = arith.cmpi ne, %convert_element_type3A_582, %cond3A_583 : i32
      scf.if %cond3A_584 {
        %add3A_604 = arith.constant 0 : i32
        %add3A_605 = arith.addi %mul3A_578, %add3A_604 : i32
        %dma_wait3A = arith.constant 0 : i32
        %dma_wait3A_606 = tpu.memref_slice %arg6[%add3A_605, %dma_wait3A] : memref<160x128xi32, #tpu.memory_space<vmem>> -> memref<1x128xi32, #tpu.memory_space<vmem>>
        %dma_wait3A_607 = tpu.memref_squeeze %dma_wait3A_606 : memref<1x128xi32, #tpu.memory_space<vmem>> -> memref<128xi32, #tpu.memory_space<vmem>>
        %dma_wait3A_608 = arith.constant 0 : i32
        %dma_wait3A_609 = arith.constant 0 : i32
        %dma_wait3A_610 = tpu.memref_slice %arg2[%dma_wait3A_608, %dma_wait3A_609] : memref<10000x128xf32, #tpu.memory_space<hbm>> -> memref<10000x128xf32, #tpu.memory_space<hbm>>
        tpu.wait_indirect_dma semaphore(%arg11 : memref<!tpu.dma_semaphore, #tpu.memory_space<semaphore_mem>>) src(%dma_wait3A_610 : memref<10000x128xf32, #tpu.memory_space<hbm>>) dst(%arg8 : memref<128x128xf32, #tpu.memory_space<vmem>>)
        %add3A_611 = arith.constant 0 : i32
        %add3A_612 = arith.addi %mul3A_578, %add3A_611 : i32
        %dma_start3A = arith.constant 0 : i32
        %dma_start3A_613 = tpu.memref_slice %arg7[%add3A_612, %dma_start3A] : memref<160x128xi32, #tpu.memory_space<vmem>> -> memref<1x128xi32, #tpu.memory_space<vmem>>
        %dma_start3A_614 = tpu.memref_squeeze %dma_start3A_613 : memref<1x128xi32, #tpu.memory_space<vmem>> -> memref<128xi32, #tpu.memory_space<vmem>>
        %dma_start3A_615 = arith.constant 0 : i32
        %dma_start3A_616 = arith.constant 0 : i32
        %dma_start3A_617 = tpu.memref_slice %arg10[%dma_start3A_615, %dma_start3A_616] : memref<2688x128xf32, #tpu.memory_space<vmem_shared>> -> memref<2688x128xf32, #tpu.memory_space<vmem_shared>>
        tpu.enqueue_indirect_dma source(%arg8 : memref<128x128xf32, #tpu.memory_space<vmem>>) target(%dma_start3A_617 : memref<2688x128xf32, #tpu.memory_space<vmem_shared>>) offsets(%dma_start3A_614 : memref<128xi32, #tpu.memory_space<vmem>>) semaphore(%arg13 : memref<!tpu.dma_semaphore, #tpu.memory_space<semaphore_mem>>) {add = true}
      } else {
      }
      %add3A_585 = arith.constant 1 : i32
      %add3A_586 = arith.addi %mul3A_578, %add3A_585 : i32
      %lt3A_587 = arith.cmpi slt, %add3A_586, %select_n3A_331 : i32
      %convert_element_type3A_588 = arith.extui %lt3A_587 : i1 to i32
      %cond3A_589 = arith.constant 0 : i32
      %cond3A_590 = arith.cmpi ne, %convert_element_type3A_588, %cond3A_589 : i32
      scf.if %cond3A_590 {
        %add3A_604 = arith.constant 1 : i32
        %add3A_605 = arith.addi %mul3A_578, %add3A_604 : i32
        %dma_wait3A = arith.constant 0 : i32
        %dma_wait3A_606 = tpu.memref_slice %arg6[%add3A_605, %dma_wait3A] : memref<160x128xi32, #tpu.memory_space<vmem>> -> memref<1x128xi32, #tpu.memory_space<vmem>>
        %dma_wait3A_607 = tpu.memref_squeeze %dma_wait3A_606 : memref<1x128xi32, #tpu.memory_space<vmem>> -> memref<128xi32, #tpu.memory_space<vmem>>
        %dma_wait3A_608 = arith.constant 0 : i32
        %dma_wait3A_609 = arith.constant 0 : i32
        %dma_wait3A_610 = tpu.memref_slice %arg2[%dma_wait3A_608, %dma_wait3A_609] : memref<10000x128xf32, #tpu.memory_space<hbm>> -> memref<10000x128xf32, #tpu.memory_space<hbm>>
        tpu.wait_indirect_dma semaphore(%arg12 : memref<!tpu.dma_semaphore, #tpu.memory_space<semaphore_mem>>) src(%dma_wait3A_610 : memref<10000x128xf32, #tpu.memory_space<hbm>>) dst(%arg9 : memref<128x128xf32, #tpu.memory_space<vmem>>)
        %add3A_611 = arith.constant 1 : i32
        %add3A_612 = arith.addi %mul3A_578, %add3A_611 : i32
        %dma_start3A = arith.constant 0 : i32
        %dma_start3A_613 = tpu.memref_slice %arg7[%add3A_612, %dma_start3A] : memref<160x128xi32, #tpu.memory_space<vmem>> -> memref<1x128xi32, #tpu.memory_space<vmem>>
        %dma_start3A_614 = tpu.memref_squeeze %dma_start3A_613 : memref<1x128xi32, #tpu.memory_space<vmem>> -> memref<128xi32, #tpu.memory_space<vmem>>
        %dma_start3A_615 = arith.constant 0 : i32
        %dma_start3A_616 = arith.constant 0 : i32
        %dma_start3A_617 = tpu.memref_slice %arg10[%dma_start3A_615, %dma_start3A_616] : memref<2688x128xf32, #tpu.memory_space<vmem_shared>> -> memref<2688x128xf32, #tpu.memory_space<vmem_shared>>
        tpu.enqueue_indirect_dma source(%arg9 : memref<128x128xf32, #tpu.memory_space<vmem>>) target(%dma_start3A_617 : memref<2688x128xf32, #tpu.memory_space<vmem_shared>>) offsets(%dma_start3A_614 : memref<128xi32, #tpu.memory_space<vmem>>) semaphore(%arg14 : memref<!tpu.dma_semaphore, #tpu.memory_space<semaphore_mem>>) {add = true}
      } else {
      }
      %add3A_591 = arith.constant 0 : i32
      %add3A_592 = arith.addi %mul3A_578, %add3A_591 : i32
      %lt3A_593 = arith.cmpi slt, %add3A_592, %select_n3A_331 : i32
      %convert_element_type3A_594 = arith.extui %lt3A_593 : i1 to i32
      %cond3A_595 = arith.constant 0 : i32
      %cond3A_596 = arith.cmpi ne, %convert_element_type3A_594, %cond3A_595 : i32
      scf.if %cond3A_596 {
        %add3A_604 = arith.constant 0 : i32
        %add3A_605 = arith.addi %mul3A_578, %add3A_604 : i32
        %dma_wait3A = arith.constant 0 : i32
        %dma_wait3A_606 = tpu.memref_slice %arg7[%add3A_605, %dma_wait3A] : memref<160x128xi32, #tpu.memory_space<vmem>> -> memref<1x128xi32, #tpu.memory_space<vmem>>
        %dma_wait3A_607 = tpu.memref_squeeze %dma_wait3A_606 : memref<1x128xi32, #tpu.memory_space<vmem>> -> memref<128xi32, #tpu.memory_space<vmem>>
        %dma_wait3A_608 = arith.constant 0 : i32
        %dma_wait3A_609 = arith.constant 0 : i32
        %dma_wait3A_610 = tpu.memref_slice %arg10[%dma_wait3A_608, %dma_wait3A_609] : memref<2688x128xf32, #tpu.memory_space<vmem_shared>> -> memref<2688x128xf32, #tpu.memory_space<vmem_shared>>
        tpu.wait_indirect_dma semaphore(%arg13 : memref<!tpu.dma_semaphore, #tpu.memory_space<semaphore_mem>>) src(%arg8 : memref<128x128xf32, #tpu.memory_space<vmem>>) dst(%dma_wait3A_610 : memref<2688x128xf32, #tpu.memory_space<vmem_shared>>)
        %add3A_611 = arith.constant 2 : i32
        %add3A_612 = arith.addi %mul3A_578, %add3A_611 : i32
        %add3A_613 = arith.constant 0 : i32
        %add3A_614 = arith.addi %add3A_612, %add3A_613 : i32
        %lt3A_615 = arith.cmpi slt, %add3A_614, %select_n3A_331 : i32
        %convert_element_type3A_616 = arith.extui %lt3A_615 : i1 to i32
        %cond3A_617 = arith.constant 0 : i32
        %cond3A_618 = arith.cmpi ne, %convert_element_type3A_616, %cond3A_617 : i32
        scf.if %cond3A_618 {
          %add3A_619 = arith.constant 2 : i32
          %add3A_620 = arith.addi %mul3A_578, %add3A_619 : i32
          %add3A_621 = arith.constant 0 : i32
          %add3A_622 = arith.addi %add3A_620, %add3A_621 : i32
          %dma_start3A = arith.constant 0 : i32
          %dma_start3A_623 = tpu.memref_slice %arg6[%add3A_622, %dma_start3A] : memref<160x128xi32, #tpu.memory_space<vmem>> -> memref<1x128xi32, #tpu.memory_space<vmem>>
          %dma_start3A_624 = tpu.memref_squeeze %dma_start3A_623 : memref<1x128xi32, #tpu.memory_space<vmem>> -> memref<128xi32, #tpu.memory_space<vmem>>
          %dma_start3A_625 = arith.constant 0 : i32
          %dma_start3A_626 = arith.constant 0 : i32
          %dma_start3A_627 = tpu.memref_slice %arg2[%dma_start3A_625, %dma_start3A_626] : memref<10000x128xf32, #tpu.memory_space<hbm>> -> memref<10000x128xf32, #tpu.memory_space<hbm>>
          tpu.enqueue_indirect_dma source(%dma_start3A_627 : memref<10000x128xf32, #tpu.memory_space<hbm>>) target(%arg8 : memref<128x128xf32, #tpu.memory_space<vmem>>) offsets(%dma_start3A_624 : memref<128xi32, #tpu.memory_space<vmem>>) semaphore(%arg11 : memref<!tpu.dma_semaphore, #tpu.memory_space<semaphore_mem>>)
        } else {
        }
      } else {
      }
      %add3A_597 = arith.constant 1 : i32
      %add3A_598 = arith.addi %mul3A_578, %add3A_597 : i32
      %lt3A_599 = arith.cmpi slt, %add3A_598, %select_n3A_331 : i32
      %convert_element_type3A_600 = arith.extui %lt3A_599 : i1 to i32
      %cond3A_601 = arith.constant 0 : i32
      %cond3A_602 = arith.cmpi ne, %convert_element_type3A_600, %cond3A_601 : i32
      scf.if %cond3A_602 {
        %add3A_604 = arith.constant 1 : i32
        %add3A_605 = arith.addi %mul3A_578, %add3A_604 : i32
        %dma_wait3A = arith.constant 0 : i32
        %dma_wait3A_606 = tpu.memref_slice %arg7[%add3A_605, %dma_wait3A] : memref<160x128xi32, #tpu.memory_space<vmem>> -> memref<1x128xi32, #tpu.memory_space<vmem>>
        %dma_wait3A_607 = tpu.memref_squeeze %dma_wait3A_606 : memref<1x128xi32, #tpu.memory_space<vmem>> -> memref<128xi32, #tpu.memory_space<vmem>>
        %dma_wait3A_608 = arith.constant 0 : i32
        %dma_wait3A_609 = arith.constant 0 : i32
        %dma_wait3A_610 = tpu.memref_slice %arg10[%dma_wait3A_608, %dma_wait3A_609] : memref<2688x128xf32, #tpu.memory_space<vmem_shared>> -> memref<2688x128xf32, #tpu.memory_space<vmem_shared>>
        tpu.wait_indirect_dma semaphore(%arg14 : memref<!tpu.dma_semaphore, #tpu.memory_space<semaphore_mem>>) src(%arg9 : memref<128x128xf32, #tpu.memory_space<vmem>>) dst(%dma_wait3A_610 : memref<2688x128xf32, #tpu.memory_space<vmem_shared>>)
        %add3A_611 = arith.constant 2 : i32
        %add3A_612 = arith.addi %mul3A_578, %add3A_611 : i32
        %add3A_613 = arith.constant 1 : i32
        %add3A_614 = arith.addi %add3A_612, %add3A_613 : i32
        %lt3A_615 = arith.cmpi slt, %add3A_614, %select_n3A_331 : i32
        %convert_element_type3A_616 = arith.extui %lt3A_615 : i1 to i32
        %cond3A_617 = arith.constant 0 : i32
        %cond3A_618 = arith.cmpi ne, %convert_element_type3A_616, %cond3A_617 : i32
        scf.if %cond3A_618 {
          %add3A_619 = arith.constant 2 : i32
          %add3A_620 = arith.addi %mul3A_578, %add3A_619 : i32
          %add3A_621 = arith.constant 1 : i32
          %add3A_622 = arith.addi %add3A_620, %add3A_621 : i32
          %dma_start3A = arith.constant 0 : i32
          %dma_start3A_623 = tpu.memref_slice %arg6[%add3A_622, %dma_start3A] : memref<160x128xi32, #tpu.memory_space<vmem>> -> memref<1x128xi32, #tpu.memory_space<vmem>>
          %dma_start3A_624 = tpu.memref_squeeze %dma_start3A_623 : memref<1x128xi32, #tpu.memory_space<vmem>> -> memref<128xi32, #tpu.memory_space<vmem>>
          %dma_start3A_625 = arith.constant 0 : i32
          %dma_start3A_626 = arith.constant 0 : i32
          %dma_start3A_627 = tpu.memref_slice %arg2[%dma_start3A_625, %dma_start3A_626] : memref<10000x128xf32, #tpu.memory_space<hbm>> -> memref<10000x128xf32, #tpu.memory_space<hbm>>
          tpu.enqueue_indirect_dma source(%dma_start3A_627 : memref<10000x128xf32, #tpu.memory_space<hbm>>) target(%arg9 : memref<128x128xf32, #tpu.memory_space<vmem>>) offsets(%dma_start3A_624 : memref<128xi32, #tpu.memory_space<vmem>>) semaphore(%arg12 : memref<!tpu.dma_semaphore, #tpu.memory_space<semaphore_mem>>)
        } else {
        }
      } else {
      }
      %while3A_603 = arith.constant 0 : i32
      scf.yield %while3A_603 : i32
    }
    %barrier3A_568 = arith.constant 0 : index
    tpu.barrier barrier_id(%barrier3A_568)
    %mul3A_569 = arith.constant 160 : i32
    %mul3A_570 = arith.muli %arg1, %mul3A_569 : i32
    %mul3A_571 = arith.constant 160 : i32
    %mul3A_572 = arith.muli %arg1, %mul3A_571 : i32
    %add3A_573 = arith.addi %mul3A_285, %mul3A_572 : i32
    "tpu.region"() ({
      %run_scoped3A = tpu.sem_alloc : memref<!tpu.dma_semaphore, #tpu.memory_space<semaphore_mem>>
      %dma_start3A = arith.constant 0 : i32
      %dma_start3A_575 = tpu.memref_slice %arg5[%add3A_573, %dma_start3A] : memref<10240x128xf32, #tpu.memory_space<hbm>> -> memref<160x128xf32, #tpu.memory_space<hbm>>
      %dma_start3A_576 = arith.constant 0 : i32
      %dma_start3A_577 = tpu.memref_slice %arg10[%mul3A_570, %dma_start3A_576] : memref<2688x128xf32, #tpu.memory_space<vmem_shared>> -> memref<160x128xf32, #tpu.memory_space<vmem_shared>>
      tpu.enqueue_dma source(%dma_start3A_577 : memref<160x128xf32, #tpu.memory_space<vmem_shared>>) target(%dma_start3A_575 : memref<160x128xf32, #tpu.memory_space<hbm>>) target_semaphore(%run_scoped3A : memref<!tpu.dma_semaphore, #tpu.memory_space<semaphore_mem>>)
      %dma_wait3A = arith.constant 0 : i32
      %dma_wait3A_578 = tpu.memref_slice %arg5[%add3A_573, %dma_wait3A] : memref<10240x128xf32, #tpu.memory_space<hbm>> -> memref<160x128xf32, #tpu.memory_space<hbm>>
      %dma_wait3A_579 = arith.constant 0 : i32
      %dma_wait3A_580 = tpu.memref_slice %arg10[%mul3A_570, %dma_wait3A_579] : memref<2688x128xf32, #tpu.memory_space<vmem_shared>> -> memref<160x128xf32, #tpu.memory_space<vmem_shared>>
      tpu.wait_dma2 semaphore(%run_scoped3A : memref<!tpu.dma_semaphore, #tpu.memory_space<semaphore_mem>>) src(%dma_wait3A_580 : memref<160x128xf32, #tpu.memory_space<vmem_shared>>) dst(%dma_wait3A_578 : memref<160x128xf32, #tpu.memory_space<hbm>>)
      tpu.yield
    }) : () -> ()
    %barrier3A_574 = arith.constant 0 : index
    tpu.barrier barrier_id(%barrier3A_574)
    return
  }
}

module attributes {stable_mosaic.version = 14 : i64} {
  func.func @_tc_body(%arg0: i32, %arg1: memref<1024x128xf32, #tpu.memory_space<vmem>>, %arg2: memref<128x128xf32, #tpu.memory_space<vmem>>, %arg3: memref<1x128xf32, #tpu.memory_space<vmem>>, %arg4: memref<1024x128xf32, #tpu.memory_space<vmem>>) attributes {dimension_semantics = [#tpu.dimension_semantics<arbitrary>], iteration_bounds = array<i64: 10>, scalar_prefetch = 0 : i64, scratch_operands = 0 : i64, tpu.core_type = #tpu.core_type<tc>, window_params = [{transform_indices = @transform_0, window_bounds = array<i64: 1024, 128>}, {pipeline_mode = #tpu.pipeline_mode<synchronous>, transform_indices = @transform_1, window_bounds = array<i64: 128, 128>}, {pipeline_mode = #tpu.pipeline_mode<synchronous>, transform_indices = @transform_2, window_bounds = array<i64: 1, 128>}, {transform_indices = @transform_3, window_bounds = array<i64: 1024, 128>}]} {
    %get3A = arith.constant 0 : index
    %get3A_0 = arith.constant 0 : index
    %get3A_1 = vector.load %arg1[%get3A, %get3A_0] : memref<1024x128xf32, #tpu.memory_space<vmem>>, vector<1024x128xf32>
    %get3A_2 = arith.constant 0 : index
    %get3A_3 = arith.constant 0 : index
    %get3A_4 = vector.load %arg2[%get3A_2, %get3A_3] : memref<128x128xf32, #tpu.memory_space<vmem>>, vector<128x128xf32>
    %dot_general3A = arith.constant dense<0.000000e+00> : vector<1024x128xf32>
    %dot_general3A_5 = tpu.matmul %get3A_1, %get3A_4, %dot_general3A {dimension_numbers = #tpu.dot_dimension_numbers<[1], [1], [0], [0], [0, 0, 1, 0], [], []>, transpose_lhs_hint = false} : vector<1024x128xf32>, vector<128x128xf32>, vector<1024x128xf32> -> vector<1024x128xf32>
    %get3A_6 = arith.constant 0 : index
    %get3A_7 = arith.constant 0 : index
    %get3A_8 = vector.load %arg3[%get3A_6, %get3A_7] : memref<1x128xf32, #tpu.memory_space<vmem>>, vector<1x128xf32>
    %add3A = vector.broadcast %get3A_8 : vector<1x128xf32> to vector<1024x128xf32>
    %add3A_9 = arith.addf %dot_general3A_5, %add3A : vector<1024x128xf32>
    %max3A = arith.constant 0.000000e+00 : f32
    %max3A_10 = vector.broadcast %max3A : f32 to vector<1024x128xf32>
    %max3A_11 = arith.maximumf %add3A_9, %max3A_10 : vector<1024x128xf32>
    %swap3A = arith.constant 0 : index
    %swap3A_12 = arith.constant 0 : index
    %swap3A_13 = vector.load %arg4[%swap3A, %swap3A_12] : memref<1024x128xf32, #tpu.memory_space<vmem>>, vector<1024x128xf32>
    tpu.vector_store %arg4[%swap3A, %swap3A_12], %max3A_11 {strides = array<i32>} : memref<1024x128xf32, #tpu.memory_space<vmem>>, vector<1024x128xf32>,
    return
  }
  func.func @transform_0(%arg0: i32) -> (i32, i32) {
    %c0_i32 = arith.constant 0 : i32
    %c0_i32_0 = arith.constant 0 : i32
    return %arg0, %c0_i32 : i32, i32
  }
  func.func @transform_1(%arg0: i32) -> (i32, i32) {
    %c0_i32 = arith.constant 0 : i32
    %c0_i32_0 = arith.constant 0 : i32
    %c0_i32_1 = arith.constant 0 : i32
    return %c0_i32, %c0_i32_0 : i32, i32
  }
  func.func @transform_2(%arg0: i32) -> (i32, i32) {
    %c0_i32 = arith.constant 0 : i32
    %c0_i32_0 = arith.constant 0 : i32
    %c0_i32_1 = arith.constant 0 : i32
    return %c0_i32, %c0_i32_0 : i32, i32
  }
  func.func @transform_3(%arg0: i32) -> (i32, i32) {
    %c0_i32 = arith.constant 0 : i32
    %c0_i32_0 = arith.constant 0 : i32
    return %arg0, %c0_i32 : i32, i32
  }
}

</mosaic_0001>

<sc_bundles>
// kernel: kernel.4.cloned.1.call-start
scs
__scs_entry_jumppad:
0x0: {  	(pc) =	sbr.rel $0x88, $3  }
0x1: {  	(tag) =	ssettag $0x0;
	lr =	simm.s32 $0x1  }
0x2: {  	[smem:$0x3F9D] =	sst lr;
	_ =	strace $0xD0000000  }
0x3: {  	_ = 	snop  }
0x4: {  	_ = 	snop  }
0x5: {  	_ = 	snop  }
0x6: {  	_ = 	snop  }
0x7: {  	_ = 	snop  }
__scs_overlays_trampoline_lowered:
0x8: {  	[smem:$0x3FAC] =	sst s0  }
0x9: {  	[smem:$0x3FAD] =	sst s1  }
0xa: {  	[smem:$0x3FAE] =	sst s2  }
0xb: {  	[smem:$0x3FAF] =	sst s3  }
0xc: {  	[smem:$0x3FB0] =	sst s4  }
0xd: {  	[smem:$0x3FB1] =	sst s5  }
0xe: {  	[smem:$0x3FB2] =	sst s6  }
0xf: {  	[smem:$0x3FB3] =	sst s7  }
0x10: {  	[smem:$0x3FB4] =	sst s8  }
0x11: {  	[smem:$0x3FB5] =	sst s9;
	s0 =	simm.s32 @!p0 $0x0  }
0x12: {  	s1 =	sld [smem:$0x3F9B];
	s0 =	simm.s32 @p0 $0x1  }
0x13: {  	[smem:$0x3FB6] =	sst s0;
	s0 =	simm.s32 @!p1 $0x0  }
0x14: {  	s2 =	sld [smem:$0x3F9A];
	s0 =	simm.s32 @p1 $0x1  }
0x15: {  	[smem:$0x3FB7] =	sst s0;
	s0 =	simm.s32 @!p2 $0x0  }
0x16: {  	s3 =	sld [smem:$0x3FDB];
	s0 =	simm.s32 @p2 $0x1  }
0x17: {  	s4 =	simm.s32 $0x1BF5;
	[smem:$0x3FB9] =	sst s0  }
0x18: {  	s0 =	sld [smem:$0x3F9C];
	_ =	swait.ge [sflag:s4], $0x0  }
0x19: {  	s7 =	sld [smem:$0x3F9D]  }
0x1a: {  	s8 =	sadd.s32 $0xFFFFE003, lr  }
0x1b: {  	s9 =	sadd.s32 $0xFFFFFEF7, lr;
	s5 =	simm.s32 $0xFFFFFFFF;
	p2 =	slt.u32 s8, $0xFFFFF086  }
0x1c: {  	p1 =	slt.u32 s9, $0xF7A;
	s5 =	simm.s32 @!p2 $0x0  }
0x1d: {  	s5 =	simm.s32 @p1 $0x1;
	p0 =	seq.s32 s7, s2  }
0x1e: {  	s7 =	smul.u32 @!p0 $0xF7A, s2;
	p2 =	seq.s32 @!p0 s5, $0x0  }
0x1f: {  	s9 =	smul.u32 $0xF7A, s1;
	s8 =	simm.s32 @!p0 $0x1BF5;
	p2 =	por !p2, p0  }
0x20: {  	[sflag:s8] =	ssyncset.s32 @!p0 $0xFFFFF086;
	s6 =	sadd.s32 @!p0 s3, s7;
	s7 =	simm.s32 @!p0 $0x108  }
0x21: {  	s3 =	sadd.s32 s3, s9;
	s6 =	sadd.s32 @!p0 $0x88, s6;
	s7 =	simm.s32 @p2 $0x1082  }
0x22: {  	[simem:s7], [sflag:s8] =	dma.local @!p0 [hbm:s6], $0xF7A  }
0x23: {  	s9 =	sor.u32 $0xD0000000, s2;
	s6 =	simm.s32 $0x108;
	_ =	swait.ge @!p0 [sflag:s8], $0x0  }
0x24: {  	s3 =	sadd.s32 $0x88, s3;
	s6 =	simm.s32 @!p1 $0x1082;
	[sflag:s4] =	ssyncset.s32 $0xFFFFF086  }
0x25: {  	[simem:s6], [sflag:s4] =	dma.local [hbm:s3], $0xF7A  }
0x26: {  	[smem:$0x3F9D] =	sst s1;
	(tag) =	ssettag s2;
	_ =	strace s9  }
0x27: {  	s1 =	sld [smem:$0x3FAD]  }
0x28: {  	s2 =	sld [smem:$0x3FAE]  }
0x29: {  	s4 =	sld [smem:$0x3FB0]  }
0x2a: {  	p0 =	seq.s32 s5, $0x0;
	s5 =	sld [smem:$0x3FB1]  }
0x2b: {  	s6 =	sld [smem:$0x3FB2]  }
0x2c: {  	s7 =	sld [smem:$0x3FB3]  }
0x2d: {  	s3 =	simm.s32 $0x108;
	s8 =	sld [smem:$0x3FB4]  }
0x2e: {  	s3 =	simm.s32 @!p0 $0x1082;
	s9 =	sld [smem:$0x3FB5]  }
0x2f: {  	lr =	sadd.s32 s0, s3;
	s0 =	sld [smem:$0x3FAC]  }
0x30: {  	s3 =	sld [smem:$0x3FAF]  }
0x31: {  	[smem:$0x3FB8] =	sst s10  }
0x32: {  	s10 =	sld [smem:$0x3FB6];
	_ =	sdelay $0x3  }
0x33: {  	p0 =	seq.s32 s10, $0x1;
	s10 =	sld [smem:$0x3FB8];
	_ =	sdelay $0x3  }
0x34: {  	[smem:$0x3FB8] =	sst s10  }
0x35: {  	s10 =	sld [smem:$0x3FB7];
	_ =	sdelay $0x3  }
0x36: {  	p1 =	seq.s32 s10, $0x1;
	s10 =	sld [smem:$0x3FB8];
	_ =	sdelay $0x3  }
0x37: {  	[smem:$0x3FB8] =	sst s10  }
0x38: {  	s10 =	sld [smem:$0x3FB9]  }
0x39: {  	_ = 	snop;
	(pc) =	sbr.ind lr, $3  }
0x3a: {  	_ = 	snop  }
0x3b: {  	_ = 	snop  }
0x3c: {  	p2 =	seq.s32 s10, $0x1;
	s10 =	sld [smem:$0x3FB8]  }
0x3d: {  	_ =	shalt  }
0x3e: {  	_ =	shalt  }
0x3f: {  	_ =	shalt  }
0x40: {  	_ =	shalt  }
0x41: {  	_ =	shalt  }
0x42: {  	_ =	shalt  }
0x43: {  	_ =	shalt  }
0x44: {  	_ =	shalt  }
0x45: {  	_ =	shalt  }
0x46: {  	_ =	shalt  }
0x47: {  	_ =	shalt  }
0x48: {  	_ =	shalt  }
0x49: {  	_ =	shalt  }
0x4a: {  	_ =	shalt  }
0x4b: {  	_ =	shalt  }
0x4c: {  	_ =	shalt  }
0x4d: {  	_ =	shalt  }
0x4e: {  	_ =	shalt  }
0x4f: {  	_ =	shalt  }
0x50: {  	_ =	shalt  }
0x51: {  	_ =	shalt  }
0x52: {  	_ =	shalt  }
0x53: {  	_ =	shalt  }
0x54: {  	_ =	shalt  }
0x55: {  	_ =	shalt  }
0x56: {  	_ =	shalt  }
0x57: {  	_ =	shalt  }
0x58: {  	_ =	shalt  }
0x59: {  	_ =	shalt  }
0x5a: {  	_ =	shalt  }
0x5b: {  	_ =	shalt  }
0x5c: {  	_ =	shalt  }
0x5d: {  	_ =	shalt  }
0x5e: {  	_ =	shalt  }
0x5f: {  	_ =	shalt  }
0x60: {  	_ =	shalt  }
0x61: {  	_ =	shalt  }
0x62: {  	_ =	shalt  }
0x63: {  	_ =	shalt  }
0x64: {  	_ =	shalt  }
0x65: {  	_ =	shalt  }
0x66: {  	_ =	shalt  }
0x67: {  	_ =	shalt  }
0x68: {  	_ =	shalt  }
0x69: {  	_ =	shalt  }
0x6a: {  	_ =	shalt  }
0x6b: {  	_ =	shalt  }
0x6c: {  	_ =	shalt  }
0x6d: {  	_ =	shalt  }
0x6e: {  	_ =	shalt  }
0x6f: {  	_ =	shalt  }
0x70: {  	_ =	shalt  }
0x71: {  	_ =	shalt  }
0x72: {  	_ =	shalt  }
0x73: {  	_ =	shalt  }
0x74: {  	_ =	shalt  }
0x75: {  	_ =	shalt  }
0x76: {  	_ =	shalt  }
0x77: {  	_ =	shalt  }
0x78: {  	_ =	shalt  }
0x79: {  	_ =	shalt  }
0x7a: {  	_ =	shalt  }
0x7b: {  	_ =	shalt  }
0x7c: {  	_ =	shalt  }
0x7d: {  	_ =	shalt  }
0x7e: {  	_ =	shalt  }
0x7f: {  	_ =	shalt  }
0x80: {  	_ =	shalt  }
0x81: {  	_ =	shalt  }
0x82: {  	_ =	shalt  }
0x83: {  	_ =	shalt  }
0x84: {  	_ =	shalt  }
0x85: {  	_ =	shalt  }
0x86: {  	_ =	shalt  }
0x87: {  	_ =	shalt  }
.Lfunc_end0:
.L_simem_size_0:
called_computation_lowered:
.L_overlay_start_0:
0x88: {  	s2 =	sld [smem:$0x3FD9]  }
0x89: {  	s3 =	sld [smem:$0x3FFE];
	_ =	sdelay $0x1  }
0x8a: {  	s1 =	srdreg.scid  }
0x8b: {  	s0 =	sand.u32 $0x1, s1  }
0x8c: {  	s17 =	sshll.u32 s0, $0xA;
	s2 =	sadd.s32 s3, s2  }
0x8d: {  	s2 =	sadd.s32 s2, s17  }
0x8e: {  	[smem:$0x3FC4] =	sst s2  }
0x8f: {  	_ = 	snop  }
0x90: {  	s2 =	sld [smem:$0x3FC9]  }
0x91: {  	s18 =	sld [smem:$0x3FD0];
	(tm) =	ssettm $0x1  }
0x92: {  	s4 =	sld [smem:$0x3FFB];
	_ =	sdelay $0x3  }
0x93: {  	_ =	strace s4  }
0x94: {  	s4 =	sld [smem:$0x3FFC];
	_ =	sdelay $0x3  }
0x95: {  	_ =	strace s4  }
0x96: {  	s4 =	sld [smem:$0x3FFD];
	_ =	sdelay $0x3  }
0x97: {  	_ =	strace s4  }
0x98: {  	_ =	strace $0x8FFFFFFF  }
0x99: {  	s19 =	sld [smem:$0x3FDB];
	_ =	sdelay $0x1  }
0x9a: {  	s5 =	simm.s32 $_scs_section_size  }
0x9b: {  	s6 =	simm.s32 $_size__tile_overlayer_lowered;
	s7 =	simm.s32 $_tile_overlayer_lowered  }
0x9c: {  	s22 =	simm.s32 $0x1BFF;
	s21 =	sshll.u32 s7, $0x1;
	s4 =	sadd.s32 s5, s19  }
0x9d: {  	s8 =	simm.s32 $0x0;
	s20 =	sshll.u32 s6, $0x1;
	s6 =	sadd.s32 s21, s4  }
0x9e: {  	[timem:s8], [sflag:s22] =	dma.local [hbm:s6], s20  }
0x9f: {  	_ =	swait.ge [sflag:s22], s20  }
0xa0: {  	s5 =	ssub.s32 $0x0, s20;
	[sflag:s22] =	ssyncset.done $0x0  }
0xa1: {  	[sflag:s22] =	ssyncadd.s32 s5;
	_ =	sdelay $0x1  }
0xa2: {  	s23 =	simm.s32 $0x1B8B  }
0xa3: {  	_ =	swait.ge [sflag:s23], $0x1  }
0xa4: {  	[sflag:s23] =	ssyncset.done $0x0  }
0xa5: {  	s25 =	simm.s32 $0x1B8E;
	s24 =	sld [smem:$0x3FFE];
	[sflag:s23] =	ssyncadd.s32 $0xFFFFFFFF  }
0xa6: {  	s26 =	simm.s32 $execute0_lowered;
	[smem:$0x3FD2] =	sst s25  }
0xa7: {  	s6 =	sshll.u32 s26, $0x1;
	_ =	strace $0x80000046;
	[dreg:$0x1] =	wrdreg $0xFFFFFFFF  }
0xa8: {  	s28 =	simm.s32 $_size_execute0_lowered;
	s4 =	sadd.s32 s4, s6;
	[dreg:$0x0] =	wrdreg $0x0  }
0xa9: {  	s6 =	sshll.u32 s28, $0x1;
	[dreg:$0x2] =	wrdreg s4  }
0xaa: {  	[dreg:$0x3] =	wrdreg s6  }
0xab: {  	[dreg:$0x4] =	wrdreg $0xC0  }
0xac: {  	_ =	task [dreg:s8], $0x5FFFF  }
0xad: {  	[dreg:$0x1] =	wrdreg $0xFFFFFFFF  }
0xae: {  	[dreg:$0x0] =	wrdreg $0x60  }
0xaf: {  	[dreg:$0x2] =	wrdreg s2  }
0xb0: {  	[dreg:$0x3] =	wrdreg s18  }
0xb1: {  	[dreg:$0x4] =	wrdreg s24  }
0xb2: {  	[dreg:$0x5] =	wrdreg $0x120000  }
0xb3: {  	[dreg:$0x6] =	wrdreg $0x9  }
0xb4: {  	_ =	task.clear_ibuf [dreg:s8], $0x7FFFF;
	_ =	strace $0x90000046  }
0xb5: {  	s29 =	simm.s32 $0x9;
	_ =	strace $0x80000048  }
0xb6: {  	_ =	swait.ge [sflag:s29], $0x1  }
0xb7: {  	[sflag:s29] =	ssyncadd.s32 $0xFFFFFFFF  }
0xb8: {  	_ =	strace $0x90000048  }
0xb9: {  	_ =	sfence  }
0xba: {  	s30 =	sld [smem:$0x0];
	_ =	sdelay $0x2  }
0xbb: {  	s31 =	sshll.u32 s1, $0xD;
	s1 =	sshrl.u32 s1, $0x2  }
0xbc: {  	s3 =	sand.u32 $0x4000, s31;
	s1 =	sadd.s32 s1, s30  }
0xbd: {  	s0 =	sor.u32 s3, s0;
	s1 =	sshll.u32 s1, $0x11  }
0xbe: {  	s0 =	sor.u32 s1, s0  }
0xbf: {  	s0 =	sadd.s32 $0x8F2B, s0  }
0xc0: {  	[sflag:s0] =	ssyncadd.remote.s32 $0x1  }
0xc1: {  	_ =	sfence.sel $0xFFFF  }
0xc2: {  	[dreg:$0x0] =	wrdreg $0xFFFFFFFF;
	(pc) =	sbr.abs _section_cstart, $3  }
0xc3: {  	[dreg:$0x1] =	wrdreg $0xFFFFFFFF  }
0xc4: {  	_ =	task.clear_ibuf [dreg:s8], $0x2FFFF;
	_ =	strace $0x9FFFFFFF  }
0xc5: {  	(tm) =	ssettm $0x7FFFFFFF  }
tec
execute0_lowered:
.L_overlay_start_1:
0x0: {  	(tag) =	ssettag $0x1  }
0x1: {  	s0 =	srdreg.scid  }
0x2: {  	v0 =	vimm.s32 $0xEDCBA987;
	v1 =	vimm.s32 $0x65432100;
	s6 =	rddreg [dreg:$0x1];
	s3 =	stileid.u32;
	v6 =	vimm.s32 $0xDCBA9876  }
0x3: {  	s7 =	rddreg [dreg:$0x2];
	v5 =	vimm.s32 $0x54321000;
	v7 =	vimm.s32 $0xBA987654;
	v8 =	vimm.s32 $0x32100000;
	s8 =	smul.u32 $0xA00, s3  }
0x4: {  	s2 =	rddreg [dreg:$0x3];
	v9 =	vimm.s32 $0xE40000;
	vm0 =	vmmov $0x3;
	vm1 =	vmmov $0xf;
	s11 =	smul.u32 $0x15000, s3  }
0x5: {  	s4 =	simm.s32 $0x0;
	vm2 =	vcmask $0x3F30;
	s16 =	simm.s32 $0x0;
	v2 =	vunpack.c.l.s4.s8 v0;
	v3 =	vunpack.c.l.s4.s8 v1;
	s30 =	smul.u32 $0xA0, s3  }
0x6: {  	s5 =	sand.u32 $0x1, s0;
	s0 =	rddreg [dreg:$0x0];
	v5 =	vunpack.c.l.s4.s8 v5;
	v6 =	vunpack.c.l.s4.s8 v6;
	v7 =	vunpack.c.l.s4.s8 v7;
	s15 =	smul.u32 $0x14000, s3  }
0x7: {  	[smem:$0x7FF] =	sst s4;
	s13 =	sadd.s32 $0xA200, s7;
	v8 =	vunpack.c.l.s4.s8 v8;
	v9 =	vunpack.c.l.s2.s4 v9;
	s9 =	smul.u32 $0x1400, s5;
	v4 =	vunpack.c.0.s8.s32 v2  }
0x8: {  	_ =	strace $0x80000047;
	s5 =	ssub.s32 $0x2, s5;
	v2 =	vimm.f32 $0.0e+00;
	v3 =	vunpack.c.0.s8.s32 v3;
	s12 =	sadd.s32 s8, s7;
	v6 =	vunpack.c.0.s8.s32 v6  }
0x9: {  	s28 =	sshrl.u32 s5, $0x1;
	s29 =	sshrl.u32 s11, $0x2;
	v5 =	vunpack.c.0.s8.s32 v5;
	v7 =	vunpack.c.0.s8.s32 v7;
	v8 =	vunpack.c.0.s8.s32 v8;
	s31 =	sshrl.u32 s15, $0x2  }
0xa: {  	v9 =	vunpack.c.l.s4.s8 v9;
	s15 =	simm.s32 $0xA000;
	v0 =	vmov s9;
	s10 =	sadd.s32 $0xA00, s9;
	s14 =	ssub.s32 s5, s28;
	v6 =	vand.u32 $0xF, v6  }
.Ltmp0:
0xb: {  	s5 =	sadd.s32 s6, s8;
	s6 =	sadd.s32 s29, s2;
	v4 =	vand.u32 $0xF, v4;
	v5 =	vcombine.low v5, v6;
	v6 =	vand.u32 $0xF, v7;
	(pc) =	sbr.rel .LBB2_1-.Ltmp0, $4  }
0xc: {  	s7 =	sadd.s32 $0x200, s12;
	s9 =	sadd.s32 s30, s9;
	s8 =	sadd.s32 $0x4000, s6;
	v9 =	vunpack.c.0.s8.s32 v9;
	v6 =	vcombine.low v8, v6;
	v8 =	vimm.s32 $0x7060504  }
0xd: {  	v1 =	vmov s10;
	s9 =	sshll.u32 s9, $0x4;
	s11 =	sadd.s32 s30, s10;
	s10 =	sadd.s32 s31, s2;
	v3 =	vcombine.low v3, v4;
	v8 =	vunpack.c.0.s8.s32 v8  }
0xe: {  	s12 =	smax.u32 s14, $0x1;
	s14 =	simm.s32 $0x5000;
	v4 =	vimm.s32 $0x0;
	s11 =	sshll.u32 s11, $0x4;
	v7 =	vlaneseq.u32;
	v9 =	vand.u32 $0x3, v9  }
0xf: {  	s9 =	sadd.s32 s13, s9;
	s11 =	sadd.s32 s13, s11;
	s13 =	simm.s32 $0x5;
	v8 =	vsel vm2, v8, v9;
	vm2 =	vmmov $0xff;
	v9 =	vimm.s32 $0xA00  }
.LBB2_19:
0x10: {  	_ = 	snop  }
.LBB2_24:
0x11: {  	p0 =	por p3, !p0;
	p1 =	sge.s32 s21, s19  }
0x12: {  	[tilespmem:s26], [sflag:$0x2] =	stream.indirect.gather @!p0 [hbm4b:s0+s29], $0x80, s28, s29, $0xb8;
	[tilespmem:$0x17400] =	vst v63  }
0x13: {  	s1 =	simm.s32 @!p1 $0x1  }
0x14: {  	s21 =	sadd.s32 @!p1 $0x1, s23;
	_ =	swait.ge @!p1 [sflag:s1], $0x4000  }
0x15: {  	s22 =	simm.s32 @!p1 $0xA000;
	p0 =	sge.s32 s23, s19;
	[sflag:s1] =	ssyncset.done @!p1 $0x0  }
0x16: {  	s25 =	simm.s32 @!p0 $0x2;
	[sflag:s1] =	ssyncadd.s32 @!p1 $0xFFFFC000;
	s1 =	simm.s32 @!p1 $0x80  }
0x17: {  	[spmem:s2] =	stream.indirect.scatter.add.f32 @!p1 [tilespmem:s22], [sflag:$0x3], $0x80, s20, s1, $0xb8;
	[tilespmem:$0x17400] =	vst v63  }
0x18: {  	p2 =	sge.s32 @!p1 s21, s19;
	_ =	swait.ge @!p0 [sflag:s25], $0x4000  }
0x19: {  	s21 =	simm.s32 @!p0 $0xE000;
	s1 =	simm.s32 @!p0 $0x80;
	[sflag:s25] =	ssyncset.done @!p0 $0x0  }
0x1a: {  	s20 =	sadd.s32 @!p0 $0x80, s20;
	s22 =	simm.s32 @!p1 $0x3;
	[sflag:s25] =	ssyncadd.s32 @!p0 $0xFFFFC000  }
0x1b: {  	[spmem:s2] =	stream.indirect.scatter.add.f32 @!p0 [tilespmem:s21], [sflag:$0x4], $0x80, s20, s1, $0xb8;
	[tilespmem:$0x17400] =	vst v63  }
0x1c: {  	p2 =	por p2, p1;
	s1 =	sadd.s32 @!p0 $0x2, s23;
	_ =	swait.ge @!p1 [sflag:s22], $0x4000  }
0x1d: {  	s20 =	simm.s32 @!p2 $0x80;
	p3 =	sge.s32 @!p0 s1, s19;
	[sflag:s22] =	ssyncset.done @!p1 $0x0  }
0x1e: {  	s1 =	simm.s32 @!p2 $0xA000;
	s19 =	simm.s32 @!p0 $0x4;
	[sflag:s22] =	ssyncadd.s32 @!p1 $0xFFFFC000  }
0x1f: {  	[tilespmem:s1], [sflag:$0x1] =	stream.indirect.gather @!p2 [hbm4b:s0+s20], $0x80, s24, s20, $0xb8;
	[tilespmem:$0x17400] =	vst v63  }
0x20: {  	p1 =	por p3, p0;
	_ =	swait.ge @!p0 [sflag:s19], $0x4000  }
0x21: {  	s1 =	simm.s32 @!p1 $0xE000;
	[sflag:s19] =	ssyncset.done @!p0 $0x0  }
0x22: {  	s20 =	simm.s32 @!p1 $0x80;
	[sflag:s19] =	ssyncadd.s32 @!p0 $0xFFFFC000;
	s19 =	sadd.s32 @!p1 $0x80, s24  }
0x23: {  	[tilespmem:s1], [sflag:$0x2] =	stream.indirect.gather @!p1 [hbm4b:s0+s20], $0x80, s19, s20, $0xb8;
	[tilespmem:$0x17400] =	vst v63  }
.LBB2_25:
0x24: {  	[bflag:$0x0] =	sbarrier.arrive $0xFFFF;
	s16 =	sadd.s32 $0x1, s16  }
0x25: {  	[hbm:s11], [sflag:s17] =	dma.local [spmem:s18], $0xA00  }
0x26: {  	p0 =	sne.s32 s16, s12  }
.Ltmp1:
0x27: {  	_ =	swait.ge [sflag:s13], $0xA00;
	(pc) =	sbr.rel @!p0 .LBB2_26-.Ltmp1, $3  }
0x28: {  	[sflag:s13] =	ssyncset.done $0x0  }
0x29: {  	[sflag:s13] =	ssyncadd.s32 $0xFFFFF600  }
0x2a: {  	[bflag:$0x0] =	sbarrier.arrive $0xFFFF;
	_ =	sdelay $0x1  }
.LBB2_1:
0x2b: {  	[tilespmem:s4], [sflag:$0x5] =	stream.linear.gather [hbm4b:s5+s4], $0x5000, $0x38;
	[tilespmem:$0x17400] =	vst v63  }
0x2c: {  	_ =	swait.ge [sflag:s13], $0x5000  }
0x2d: {  	[sflag:s13] =	ssyncset.done $0x0  }
0x2e: {  	[sflag:s13] =	ssyncadd.s32 $0xFFFFB000  }
0x2f: {  	[tilespmem:s14], [sflag:$0x5] =	stream.linear.gather [hbm4b:s7+s4], $0x5000, $0x38;
	[tilespmem:$0x17400] =	vst v63  }
0x30: {  	_ =	swait.ge [sflag:s13], $0x5000  }
0x31: {  	[sflag:s13] =	ssyncset.done $0x0  }
0x32: {  	s17 =	simm.s32 $0x0;
	s18 =	simm.s32 $0x0;
	[sflag:s13] =	ssyncadd.s32 $0xFFFFB000  }
.LBB2_2:
0x33: {  	p0 =	sne.s32 s18, $0xFFC0  }
.Ltmp2:
0x34: {  	_ = 	snop;
	(pc) =	sbr.rel @p0 .LBB2_2-.Ltmp2, $4  }
0x35: {  	s19 =	sand.u32 $0xFE00, s18  }
0x36: {  	s20 =	sand.u32 $0x70, s17;
	s19 =	sshrl.u32 s19, $0x2  }
0x37: {  	s19 =	sor.u32 s20, s19  }
0x38: {  	s17 =	sadd.s32 $0x10, s17;
	s18 =	sadd.s32 $0x40, s18;
	[tilespmem:s19+$0xA000] =	vst v2  }
0x39: {  	s18 =	simm.s32 $0x0  }
0x3a: {  	v10 =	vld [tilespmem:s18+$0x5000];
	_ =	sdelay $0x4  }
0x3b: {  	v10 =	vsub.s32 v10, v0  }
0x3c: {  	vm4 =	vlt.u32 v10, $0xA00  }
0x3d: {  	v11 =	vsel vm4, $0x1, v4  }
0x3e: {  	v12 =	vperm.xlane v11, v3  }
0x3f: {  	vm3 =	veq.s32 v7, $0x0  }
0x40: {  	v12 =	vsel vm3, $0x0, v12  }
0x41: {  	v11 =	vadd.s32 v11, v12  }
0x42: {  	v12 =	vperm.xlane v11, v5;
	_ =	sdelay $0x1  }
0x43: {  	v12 =	vsel vm0, $0x0, v12  }
0x44: {  	v11 =	vadd.s32 v12, v11  }
0x45: {  	v12 =	vperm.xlane v11, v6;
	_ =	sdelay $0x1  }
0x46: {  	v12 =	vsel vm1, $0x0, v12  }
0x47: {  	s17 =	simm.s32 $0x0;
	v11 =	vadd.s32 v12, v11  }
0x48: {  	v62 =	vmov s17;
	v13 =	vperm.xlane v11, v8  }
0x49: {  	v12 =	vadd.s32 $0xFFFFFFFF, v62  }
0x4a: {  	v12 =	vbroadcast v12, $0x0;
	v13 =	vsel vm2, $0x0, v13  }
0x4b: {  	v11 =	vadd.s32 v13, v11  }
0x4c: {  	v12 =	vadd.s32 v11, v12;
	(v2sf) =	vpush v11, $0xF  }
0x4d: {  	v63 =	vld [tilespmem:s18+$0x0];
	_ =	sdelay $0x3  }
0x4e: {  	[tilespmem:v12+s14+$0x0] =	vst.idx.msk vm4, v10  }
0x4f: {  	s19 =	simm.s32 $0x80;
	s18 =	simm.s32 $0x10;
	[tilespmem:v12+s4+$0x0] =	vst.idx.msk vm4, v63  }
.LBB2_4:
0x50: {  	p0 =	sne.s32 s19, $0x13FC0;
	v10 =	vld [tilespmem:s18+$0x5000];
	_ =	sdelay $0x4  }
0x51: {  	v10 =	vsub.s32 v10, v0  }
0x52: {  	vm4 =	vlt.u32 v10, $0xA00  }
0x53: {  	v11 =	vsel vm4, $0x1, v4  }
0x54: {  	v12 =	vperm.xlane v11, v3;
	s20 =	spop (v2sf)  }
0x55: {  	s17 =	sadd.s32 s17, s20  }
0x56: {  	v12 =	vsel vm3, $0x0, v12;
	v13 =	vmov s17  }
0x57: {  	v11 =	vadd.s32 v11, v12;
	v12 =	vadd.s32 $0xFFFFFFFF, v13  }
0x58: {  	v13 =	vperm.xlane v11, v5;
	v12 =	vbroadcast v12, $0x0;
	_ =	sdelay $0x1  }
0x59: {  	v13 =	vsel vm0, $0x0, v13  }
0x5a: {  	v11 =	vadd.s32 v13, v11  }
0x5b: {  	v13 =	vperm.xlane v11, v6;
	_ =	sdelay $0x1  }
0x5c: {  	v13 =	vsel vm1, $0x0, v13  }
0x5d: {  	v11 =	vadd.s32 v13, v11  }
0x5e: {  	v13 =	vperm.xlane v11, v8;
	_ =	sdelay $0x1  }
0x5f: {  	v13 =	vsel vm2, $0x0, v13  }
0x60: {  	v11 =	vadd.s32 v13, v11  }
0x61: {  	v12 =	vadd.s32 v11, v12;
	(v2sf) =	vpush v11, $0xF  }
0x62: {  	v11 =	vld [tilespmem:s18+$0x0]  }
.Ltmp3:
0x63: {  	(pc) =	sbr.rel @p0 .LBB2_4-.Ltmp3, $3  }
0x64: {  	_ =	sdelay $0x1  }
0x65: {  	[tilespmem:v12+s14+$0x0] =	vst.idx.msk vm4, v10  }
0x66: {  	s18 =	sshra.s32 s19, $0x2;
	s19 =	sadd.s32 $0x40, s19;
	[tilespmem:v12+s4+$0x0] =	vst.idx.msk vm4, v11  }
0x67: {  	v10 =	vld [tilespmem:s18+$0x5000];
	_ =	sdelay $0x4  }
0x68: {  	v10 =	vsub.s32 v10, v0  }
0x69: {  	vm3 =	vlt.u32 v10, $0xA00  }
0x6a: {  	v11 =	vsel vm3, $0x1, v4  }
0x6b: {  	v12 =	vperm.xlane v11, v3  }
0x6c: {  	vm4 =	veq.s32 v7, $0x0  }
0x6d: {  	v12 =	vsel vm4, $0x0, v12  }
0x6e: {  	v11 =	vadd.s32 v11, v12  }
0x6f: {  	v12 =	vperm.xlane v11, v5;
	_ =	sdelay $0x1  }
0x70: {  	v12 =	vsel vm0, $0x0, v12  }
0x71: {  	v11 =	vadd.s32 v12, v11  }
0x72: {  	v12 =	vperm.xlane v11, v6;
	_ =	sdelay $0x1  }
0x73: {  	v12 =	vsel vm1, $0x0, v12  }
0x74: {  	v11 =	vadd.s32 v12, v11  }
0x75: {  	v12 =	vperm.xlane v11, v8;
	_ =	sdelay $0x1  }
0x76: {  	v12 =	vsel vm2, $0x0, v12  }
0x77: {  	v11 =	vadd.s32 v12, v11  }
0x78: {  	(v2sf) =	vpush v11, $0xF;
	_ =	sdelay $0xd  }
0x79: {  	s19 =	spop (v2sf)  }
0x7a: {  	s17 =	sadd.s32 s17, s19;
	s30 =	spop (v2sf)  }
0x7b: {  	s19 =	sadd.s32 s17, s30  }
0x7c: {  	s20 =	sadd.s32 $0x7F, s19  }
0x7d: {  	s21 =	sand.u32 $0x7F, s20  }
0x7e: {  	s31 =	sshra.s32 s20, $0x1F;
	p1 =	slt.s32 s20, $0x1;
	p0 =	sne.s32 s21, $0x0  }
0x7f: {  	v57 =	vmov s17;
	s1 =	sshrl.u32 s31, $0x19;
	p0 =	por !p1, !p0  }
0x80: {  	v12 =	vadd.s32 $0xFFFFFFFF, v57;
	s17 =	sadd.s32 s1, s20;
	s20 =	simm.s32 $0x1;
	p0 =	por !p0, !p0  }
0x81: {  	v12 =	vbroadcast v12, $0x0;
	s17 =	sshra.s32 s17, $0x7;
	s20 =	simm.s32 @!p0 $0x0  }
0x82: {  	s17 =	ssub.s32 s17, s20  }
0x83: {  	v11 =	vadd.s32 v11, v12;
	v58 =	vadd.s32 s19, v7;
	s20 =	sshll.u32 s17, $0x7  }
0x84: {  	v13 =	vld [tilespmem:s18+$0x0];
	vm8 =	vlt.s32 v58, $0x4FFF;
	s21 =	sadd.s32 $0x10, s19;
	vm5 =	vlt.s32 v58, s20  }
0x85: {  	v12 =	vnsel vm8, $0x4FFF, v58;
	v14 =	vadd.s32 s21, v7  }
0x86: {  	s22 =	sadd.s32 $0x20, s19;
	vm9 =	vlt.s32 v14, $0x4FFF;
	vm6 =	vlt.s32 v14, s20  }
0x87: {  	v15 =	vadd.s32 s22, v7;
	v14 =	vnsel vm9, $0x4FFF, v14  }
0x88: {  	[tilespmem:v11+s14+$0x0] =	vst.idx.msk vm3, v10;
	s23 =	sadd.s32 $0x30, s19;
	vm10 =	vlt.s32 v15, $0x4FFF;
	vm7 =	vlt.s32 v15, s20  }
0x89: {  	[tilespmem:v11+s4+$0x0] =	vst.idx.msk vm3, v13;
	v11 =	vadd.s32 s23, v7;
	v10 =	vnsel vm10, $0x4FFF, v15  }
0x8a: {  	s24 =	sadd.s32 $0x40, s19;
	vm3 =	vlt.s32 v11, $0x4FFF;
	vm11 =	vlt.s32 v11, s20;
	[tilespmem:v12+s14+$0x0] =	vst.idx.msk vm5, v9  }
0x8b: {  	v59 =	vadd.s32 s24, v7;
	v11 =	vnsel vm3, $0x4FFF, v11;
	[tilespmem:v12+s4+$0x0] =	vst.idx.msk vm5, v4  }
0x8c: {  	s25 =	sadd.s32 $0x50, s19;
	vm3 =	vlt.s32 v59, $0x4FFF;
	vm12 =	vlt.s32 v59, s20;
	[tilespmem:v14+s14+$0x0] =	vst.idx.msk vm6, v9  }
0x8d: {  	v60 =	vadd.s32 s25, v7;
	v12 =	vnsel vm3, $0x4FFF, v59;
	[tilespmem:v14+s4+$0x0] =	vst.idx.msk vm6, v4  }
0x8e: {  	s26 =	sadd.s32 $0x60, s19;
	vm13 =	vlt.s32 v60, s20;
	vm3 =	vlt.s32 v60, $0x4FFF;
	[tilespmem:v10+s14+$0x0] =	vst.idx.msk vm7, v9  }
0x8f: {  	v61 =	vadd.s32 s26, v7;
	[tilespmem:v10+s4+$0x0] =	vst.idx.msk vm7, v4;
	v10 =	vnsel vm3, $0x4FFF, v60  }
0x90: {  	s28 =	sadd.s32 $0x70, s19;
	vm14 =	vlt.s32 v61, s20;
	vm3 =	vlt.s32 v61, $0x4FFF;
	[tilespmem:v11+s14+$0x0] =	vst.idx.msk vm11, v9  }
0x91: {  	v62 =	vadd.s32 s28, v7;
	[tilespmem:v11+s4+$0x0] =	vst.idx.msk vm11, v4;
	v11 =	vnsel vm3, $0x4FFF, v61  }
0x92: {  	vm15 =	vlt.s32 v62, s20;
	vm3 =	vlt.s32 v62, $0x4FFF;
	[tilespmem:v12+s14+$0x0] =	vst.idx.msk vm12, v9  }
0x93: {  	v63 =	vnsel vm3, $0x4FFF, v62;
	[tilespmem:v12+s4+$0x0] =	vst.idx.msk vm12, v4  }
0x94: {  	[tilespmem:v10+s14+$0x0] =	vst.idx.msk vm13, v9  }
0x95: {  	[tilespmem:v10+s4+$0x0] =	vst.idx.msk vm13, v4  }
0x96: {  	[tilespmem:v11+s14+$0x0] =	vst.idx.msk vm14, v9  }
0x97: {  	[tilespmem:v11+s4+$0x0] =	vst.idx.msk vm14, v4  }
0x98: {  	[tilespmem:v63+s14+$0x0] =	vst.idx.msk vm15, v9  }
0x99: {  	[tilespmem:v63+s4+$0x0] =	vst.idx.msk vm15, v4  }
0x9a: {  	[spmem:s6] =	stream.linear.scatter [tilespmem:s15], [sflag:$0x5], $0x4000, $0x38;
	[tilespmem:$0x17400] =	vst v63  }
0x9b: {  	_ =	swait.ge [sflag:s13], $0x4000  }
0x9c: {  	[sflag:s13] =	ssyncset.done $0x0  }
0x9d: {  	[sflag:s13] =	ssyncadd.s32 $0xFFFFC000  }
0x9e: {  	[spmem:s8] =	stream.linear.scatter [tilespmem:s15], [sflag:$0x5], $0x1400, $0x38;
	[tilespmem:$0x17400] =	vst v63  }
0x9f: {  	_ =	swait.ge [sflag:s13], $0x1400  }
0xa0: {  	p0 =	slt.s32 s17, $0x1;
	s29 =	sadd.s32 $0x1, s17;
	[sflag:s13] =	ssyncset.done $0x0  }
0xa1: {  	s18 =	simm.s32 @!p0 $0x80;
	s19 =	simm.s32 @!p0 $0x0;
	[sflag:s13] =	ssyncadd.s32 $0xFFFFEC00  }
0xa2: {  	s20 =	simm.s32 @!p0 $0xA000;
	p1 =	seq.s32 @!p0 s17, $0x1;
	[bflag:$0x0] =	sbarrier.arrive $0xFFFF  }
0xa3: {  	[tilespmem:s20], [sflag:$0x1] =	stream.indirect.gather @!p0 [hbm4b:s0+s18], $0x80, s19, s18, $0xb8;
	[tilespmem:$0x17400] =	vst v63  }
0xa4: {  	p5 =	slt.s32 s17, $0x0;
	s30 =	sand.u32 $0x1, s29;
	p0 =	por p1, p0  }
0xa5: {  	p6 =	seq.s32 s30, $0x1;
	s18 =	simm.s32 @!p0 $0x80;
	s19 =	simm.s32 @!p0 $0xE000  }
0xa6: {  	[tilespmem:s19], [sflag:$0x2] =	stream.indirect.gather @!p0 [hbm4b:s0+s18], $0x80, s18, s18, $0xb8;
	[tilespmem:$0x17400] =	vst v63  }
0xa7: {  	s31 =	sshrl.u32 s29, $0x1F;
	p0 =	por !p5, !p6  }
0xa8: {  	s18 =	sadd.s32 s31, s29;
	s19 =	simm.s32 $0x1;
	p0 =	por !p0, !p0  }
0xa9: {  	s18 =	sshra.s32 s18, $0x1;
	s19 =	simm.s32 @!p0 $0x0  }
0xaa: {  	s19 =	ssub.s32 s18, s19  }
0xab: {  	p0 =	slt.s32 s19, $0x1  }
.Ltmp4:
0xac: {  	_ = 	snop;
	(pc) =	sbr.rel @p0 .LBB2_13-.Ltmp4, $1  }
0xad: {  	_ =	sdelay $0x3  }
0xae: {  	s23 =	sadd.s32 $0xFFFFFFFF, s19  }
0xaf: {  	p1 =	sne.s32 s23, $0x0  }
.Ltmp5:
0xb0: {  	_ = 	snop;
	(pc) =	sbr.rel @!p1 .LBB2_7-.Ltmp5, $3  }
0xb1: {  	_ =	sdelay $0x1  }
0xb2: {  	s18 =	simm.s32 $0x5000;
	s22 =	simm.s32 $0x100;
	s21 =	simm.s32 $0x1  }
0xb3: {  	s19 =	simm.s32 $0x0;
	s20 =	simm.s32 $0x3;
	p0 =	por $0x0, $0x0  }
0xb4: {  	p1 =	sle.s32 s17, $0x0  }
0xb5: {  	s19 =	simm.s32 @!p1 $0x1  }
0xb6: {  	_ =	swait.ge @!p1 [sflag:s19], $0x4000  }
0xb7: {  	p0 =	sle.s32 s17, $0x1;
	s21 =	simm.s32 @!p1 $0xA000;
	[sflag:s19] =	ssyncset.done @!p1 $0x0  }
0xb8: {  	s24 =	simm.s32 @!p0 $0x2;
	[sflag:s19] =	ssyncadd.s32 @!p1 $0xFFFFC000;
	s19 =	simm.s32 @!p1 $0x80  }
0xb9: {  	[spmem:s2] =	stream.indirect.scatter.add.f32 @!p1 [tilespmem:s21], [sflag:$0x3], $0x80, s18, s19, $0xb8;
	[tilespmem:$0x17400] =	vst v63  }
0xba: {  	p2 =	sle.s32 @!p1 s17, $0x2;
	_ =	swait.ge @!p0 [sflag:s24], $0x4000  }
0xbb: {  	s25 =	simm.s32 @!p1 $0x3;
	s18 =	simm.s32 @!p0 $0x80;
	[sflag:s24] =	ssyncset.done @!p0 $0x0  }
0xbc: {  	s21 =	simm.s32 @!p0 $0xE000;
	[sflag:s24] =	ssyncadd.s32 @!p0 $0xFFFFC000;
	s24 =	simm.s32 @!p0 $0x5080  }
0xbd: {  	[spmem:s2] =	stream.indirect.scatter.add.f32 @!p0 [tilespmem:s21], [sflag:$0x4], $0x80, s24, s18, $0xb8;
	[tilespmem:$0x17400] =	vst v63  }
0xbe: {  	p3 =	por p2, p1;
	_ =	swait.ge @!p1 [sflag:s25], $0x4000  }
0xbf: {  	s21 =	sadd.s32 $0xFFFFFFFF, s23;
	s18 =	simm.s32 @!p3 $0xA000;
	[sflag:s25] =	ssyncset.done @!p1 $0x0  }
0xc0: {  	s23 =	simm.s32 @!p3 $0x80;
	p2 =	sne.s32 s21, $0x0;
	[sflag:s25] =	ssyncadd.s32 @!p1 $0xFFFFC000  }
0xc1: {  	[tilespmem:s18], [sflag:$0x1] =	stream.indirect.gather @!p3 [hbm4b:s0+s23], $0x80, s22, s23, $0xb8;
	[tilespmem:$0x17400] =	vst v63  }
.Ltmp6:
0xc2: {  	s26 =	simm.s32 @!p0 $0x4;
	p1 =	sle.s32 @!p0 s17, $0x3;
	(pc) =	sbr.rel @!p2 .LBB2_9-.Ltmp6, $4  }
0xc3: {  	s19 =	simm.s32 $0x2;
	s22 =	simm.s32 $0x200;
	p3 =	por p1, p0  }
0xc4: {  	s18 =	simm.s32 $0x5100;
	s23 =	simm.s32 $0x5;
	_ =	swait.ge @!p0 [sflag:s26], $0x4000  }
0xc5: {  	s24 =	simm.s32 @!p3 $0xE000;
	s25 =	simm.s32 @!p3 $0x180;
	[sflag:s26] =	ssyncset.done @!p0 $0x0  }
0xc6: {  	[sflag:s26] =	ssyncadd.s32 @!p0 $0xFFFFC000;
	s26 =	simm.s32 @!p3 $0x80;
	p0 =	por $0x1, $0x1  }
.LBB2_10:
0xc7: {  	[tilespmem:s24], [sflag:$0x2] =	stream.indirect.gather @!p3 [hbm4b:s0+s26], $0x80, s25, s26, $0xb8;
	[tilespmem:$0x17400] =	vst v63  }
0xc8: {  	s25 =	smov.u32 s22  }
0xc9: {  	s21 =	sadd.s32 $0xFFFFFFFF, s21;
	p3 =	sge.s32 s19, s17;
	s19 =	sadd.s32 $0xFFFFFFFF, s23  }
0xca: {  	p1 =	sne.s32 s21, $0x0;
	s24 =	simm.s32 @!p3 $0x1;
	s26 =	sadd.s32 @!p3 $0x1, s20  }
0xcb: {  	s28 =	simm.s32 @!p3 $0xA000;
	p4 =	sge.s32 @!p3 s26, s17;
	_ =	swait.ge @!p3 [sflag:s24], $0x4000  }
0xcc: {  	p2 =	sge.s32 s20, s17;
	p4 =	por p4, p3;
	[sflag:s24] =	ssyncset.done @!p3 $0x0  }
0xcd: {  	s26 =	simm.s32 @!p2 $0x2;
	[sflag:s24] =	ssyncadd.s32 @!p3 $0xFFFFC000;
	s24 =	simm.s32 @!p3 $0x80  }
0xce: {  	[spmem:s2] =	stream.indirect.scatter.add.f32 @!p3 [tilespmem:s28], [sflag:$0x3], $0x80, s18, s24, $0xb8;
	[tilespmem:$0x17400] =	vst v63  }
0xcf: {  	s24 =	sadd.s32 @!p2 $0x2, s20;
	s20 =	smov.u32 s23;
	_ =	swait.ge @!p2 [sflag:s26], $0x4000  }
0xd0: {  	s29 =	simm.s32 @!p2 $0xE000;
	s28 =	simm.s32 @!p2 $0x80;
	[sflag:s26] =	ssyncset.done @!p2 $0x0  }
0xd1: {  	s30 =	simm.s32 @!p3 $0x3;
	[sflag:s26] =	ssyncadd.s32 @!p2 $0xFFFFC000;
	s26 =	sadd.s32 @!p2 $0x80, s18  }
0xd2: {  	[spmem:s2] =	stream.indirect.scatter.add.f32 @!p2 [tilespmem:s29], [sflag:$0x4], $0x80, s26, s28, $0xb8;
	[tilespmem:$0x17400] =	vst v63  }
0xd3: {  	s22 =	sadd.s32 $0x100, s22;
	p5 =	sge.s32 @!p2 s24, s17;
	_ =	swait.ge @!p3 [sflag:s30], $0x4000  }
0xd4: {  	s24 =	simm.s32 @!p4 $0xA000;
	s26 =	simm.s32 @!p2 $0x4;
	[sflag:s30] =	ssyncset.done @!p3 $0x0  }
.Ltmp7:
0xd5: {  	s28 =	simm.s32 @!p4 $0x80;
	[sflag:s30] =	ssyncadd.s32 @!p3 $0xFFFFC000;
	(pc) =	sbr.rel @p1 .LBB2_10-.Ltmp7, $4  }
0xd6: {  	[tilespmem:s24], [sflag:$0x1] =	stream.indirect.gather @!p4 [hbm4b:s0+s28], $0x80, s25, s28, $0xb8;
	[tilespmem:$0x17400] =	vst v63  }
0xd7: {  	s18 =	sadd.s32 $0x100, s18;
	p3 =	por p5, p2;
	_ =	swait.ge @!p2 [sflag:s26], $0x4000  }
0xd8: {  	s23 =	sadd.s32 $0x2, s23;
	s24 =	simm.s32 @!p3 $0xE000;
	[sflag:s26] =	ssyncset.done @!p2 $0x0  }
0xd9: {  	s25 =	sadd.s32 @!p3 $0x80, s25;
	[sflag:s26] =	ssyncadd.s32 @!p2 $0xFFFFC000;
	s26 =	simm.s32 @!p3 $0x80  }
0xda: {  	s21 =	smov.u32 s20  }
.LBB2_12:
0xdb: {  	p0 =	por p3, !p0;
	p1 =	sge.s32 s19, s17  }
0xdc: {  	[tilespmem:s24], [sflag:$0x2] =	stream.indirect.gather @!p0 [hbm4b:s0+s26], $0x80, s25, s26, $0xb8;
	[tilespmem:$0x17400] =	vst v63  }
0xdd: {  	s19 =	simm.s32 @!p1 $0x1  }
0xde: {  	s20 =	sadd.s32 @!p1 $0x1, s21;
	_ =	swait.ge @!p1 [sflag:s19], $0x4000  }
0xdf: {  	s23 =	simm.s32 @!p1 $0xA000;
	p0 =	sge.s32 s21, s17;
	[sflag:s19] =	ssyncset.done @!p1 $0x0  }
0xe0: {  	s24 =	simm.s32 @!p0 $0x2;
	[sflag:s19] =	ssyncadd.s32 @!p1 $0xFFFFC000;
	s19 =	simm.s32 @!p1 $0x80  }
0xe1: {  	[spmem:s2] =	stream.indirect.scatter.add.f32 @!p1 [tilespmem:s23], [sflag:$0x3], $0x80, s18, s19, $0xb8;
	[tilespmem:$0x17400] =	vst v63  }
0xe2: {  	p2 =	sge.s32 @!p1 s20, s17;
	_ =	swait.ge @!p0 [sflag:s24], $0x4000  }
0xe3: {  	s20 =	simm.s32 @!p0 $0xE000;
	s19 =	simm.s32 @!p0 $0x80;
	[sflag:s24] =	ssyncset.done @!p0 $0x0  }
0xe4: {  	s18 =	sadd.s32 @!p0 $0x80, s18;
	s23 =	simm.s32 @!p1 $0x3;
	[sflag:s24] =	ssyncadd.s32 @!p0 $0xFFFFC000  }
0xe5: {  	[spmem:s2] =	stream.indirect.scatter.add.f32 @!p0 [tilespmem:s20], [sflag:$0x4], $0x80, s18, s19, $0xb8;
	[tilespmem:$0x17400] =	vst v63  }
0xe6: {  	p2 =	por p2, p1;
	s18 =	sadd.s32 @!p0 $0x2, s21;
	_ =	swait.ge @!p1 [sflag:s23], $0x4000  }
0xe7: {  	s19 =	simm.s32 @!p2 $0x80;
	p3 =	sge.s32 @!p0 s18, s17;
	[sflag:s23] =	ssyncset.done @!p1 $0x0  }
0xe8: {  	s17 =	simm.s32 @!p2 $0xA000;
	s18 =	simm.s32 @!p0 $0x4;
	[sflag:s23] =	ssyncadd.s32 @!p1 $0xFFFFC000  }
0xe9: {  	[tilespmem:s17], [sflag:$0x1] =	stream.indirect.gather @!p2 [hbm4b:s0+s19], $0x80, s22, s19, $0xb8;
	[tilespmem:$0x17400] =	vst v63  }
0xea: {  	p1 =	por p3, p0;
	_ =	swait.ge @!p0 [sflag:s18], $0x4000  }
0xeb: {  	s17 =	simm.s32 @!p1 $0xE000;
	[sflag:s18] =	ssyncset.done @!p0 $0x0  }
0xec: {  	s19 =	simm.s32 @!p1 $0x80;
	[sflag:s18] =	ssyncadd.s32 @!p0 $0xFFFFC000;
	s18 =	sadd.s32 @!p1 $0x80, s22  }
0xed: {  	[tilespmem:s17], [sflag:$0x2] =	stream.indirect.gather @!p1 [hbm4b:s0+s19], $0x80, s18, s19, $0xb8;
	[tilespmem:$0x17400] =	vst v63  }
.LBB2_13:
0xee: {  	s17 =	sshll.u32 s3, $0x6  }
0xef: {  	[bflag:$0x0] =	sbarrier.arrive $0xFFFF;
	s18 =	sshrl.u32 s10, $0x3;
	s17 =	sor.u32 $0x1C05, s17  }
0xf0: {  	[hbm:s9], [sflag:s17] =	dma.local [spmem:s18], $0xA00  }
0xf1: {  	_ =	swait.ge [sflag:s13], $0xA00  }
0xf2: {  	[sflag:s13] =	ssyncset.done $0x0  }
0xf3: {  	[sflag:s13] =	ssyncadd.s32 $0xFFFFF600  }
0xf4: {  	s19 =	simm.s32 $0x0;
	[bflag:$0x0] =	sbarrier.arrive $0xFFFF  }
0xf5: {  	[tilespmem:s19], [sflag:$0x5] =	stream.linear.gather [hbm4b:s5+s19], $0x5000, $0x38;
	[tilespmem:$0x17400] =	vst v63  }
0xf6: {  	_ =	swait.ge [sflag:s13], $0x5000  }
0xf7: {  	[sflag:s13] =	ssyncset.done $0x0  }
0xf8: {  	[sflag:s13] =	ssyncadd.s32 $0xFFFFB000  }
0xf9: {  	[tilespmem:s14], [sflag:$0x5] =	stream.linear.gather [hbm4b:s7+s19], $0x5000, $0x38;
	[tilespmem:$0x17400] =	vst v63  }
0xfa: {  	s20 =	sand.u32 $0xFE00, s19;
	s21 =	sand.u32 $0x70, s19;
	_ =	swait.ge [sflag:s13], $0x5000  }
0xfb: {  	s22 =	sshrl.u32 s20, $0x2;
	s20 =	simm.s32 $0x40;
	[sflag:s13] =	ssyncset.done $0x0  }
0xfc: {  	s22 =	sor.u32 s21, s22;
	s21 =	simm.s32 $0x0;
	[sflag:s13] =	ssyncadd.s32 $0xFFFFB000  }
.LBB2_14:
0xfd: {  	p0 =	sne.s32 s20, $0xFFC0  }
0xfe: {  	[tilespmem:s22+$0xA000] =	vst v2;
	s21 =	sadd.s32 $0x10, s21;
	s22 =	smov.u32 s20;
	s20 =	sadd.s32 $0x40, s20  }
.Ltmp8:
0xff: {  	(pc) =	sbr.rel @p0 .LBB2_14-.Ltmp8, $4  }
0x100: {  	_ = 	snop  }
0x101: {  	s22 =	sand.u32 $0xFE00, s22  }
0x102: {  	s23 =	sand.u32 $0x70, s21;
	s22 =	sshrl.u32 s22, $0x2  }
0x103: {  	s22 =	sor.u32 s23, s22  }
0x104: {  	[tilespmem:s22+$0xA000] =	vst v2;
	s20 =	simm.s32 $0x0  }
0x105: {  	v10 =	vld [tilespmem:s20+$0x5000];
	_ =	sdelay $0x4  }
0x106: {  	v10 =	vsub.s32 v10, v1  }
0x107: {  	vm4 =	vlt.u32 v10, $0xA00  }
0x108: {  	v11 =	vsel vm4, $0x1, v4  }
0x109: {  	v12 =	vperm.xlane v11, v3  }
0x10a: {  	vm3 =	veq.s32 v7, $0x0  }
0x10b: {  	v12 =	vsel vm3, $0x0, v12  }
0x10c: {  	v11 =	vadd.s32 v11, v12  }
0x10d: {  	v12 =	vperm.xlane v11, v5;
	_ =	sdelay $0x1  }
0x10e: {  	v12 =	vsel vm0, $0x0, v12  }
0x10f: {  	v11 =	vadd.s32 v12, v11  }
0x110: {  	v12 =	vperm.xlane v11, v6;
	_ =	sdelay $0x1  }
0x111: {  	v12 =	vsel vm1, $0x0, v12  }
0x112: {  	v11 =	vadd.s32 v12, v11  }
0x113: {  	v62 =	vmov s19;
	v13 =	vperm.xlane v11, v8  }
0x114: {  	v12 =	vadd.s32 $0xFFFFFFFF, v62  }
0x115: {  	v12 =	vbroadcast v12, $0x0;
	v13 =	vsel vm2, $0x0, v13  }
0x116: {  	v11 =	vadd.s32 v13, v11  }
0x117: {  	v12 =	vadd.s32 v11, v12;
	(v2sf) =	vpush v11, $0xF  }
0x118: {  	v63 =	vld [tilespmem:s20+$0x0];
	_ =	sdelay $0x3  }
0x119: {  	[tilespmem:v12+s14+$0x0] =	vst.idx.msk vm4, v10  }
0x11a: {  	s21 =	simm.s32 $0x80;
	s20 =	simm.s32 $0x10;
	[tilespmem:v12+s4+$0x0] =	vst.idx.msk vm4, v63  }
.LBB2_16:
0x11b: {  	p0 =	sne.s32 s21, $0x13FC0;
	v10 =	vld [tilespmem:s20+$0x5000];
	_ =	sdelay $0x4  }
0x11c: {  	v10 =	vsub.s32 v10, v1  }
0x11d: {  	vm4 =	vlt.u32 v10, $0xA00  }
0x11e: {  	v11 =	vsel vm4, $0x1, v4  }
0x11f: {  	v12 =	vperm.xlane v11, v3;
	s22 =	spop (v2sf)  }
0x120: {  	s19 =	sadd.s32 s19, s22  }
0x121: {  	v12 =	vsel vm3, $0x0, v12;
	v13 =	vmov s19  }
0x122: {  	v11 =	vadd.s32 v11, v12;
	v12 =	vadd.s32 $0xFFFFFFFF, v13  }
0x123: {  	v13 =	vperm.xlane v11, v5;
	v12 =	vbroadcast v12, $0x0;
	_ =	sdelay $0x1  }
0x124: {  	v13 =	vsel vm0, $0x0, v13  }
0x125: {  	v11 =	vadd.s32 v13, v11  }
0x126: {  	v13 =	vperm.xlane v11, v6;
	_ =	sdelay $0x1  }
0x127: {  	v13 =	vsel vm1, $0x0, v13  }
0x128: {  	v11 =	vadd.s32 v13, v11  }
0x129: {  	v13 =	vperm.xlane v11, v8;
	_ =	sdelay $0x1  }
0x12a: {  	v13 =	vsel vm2, $0x0, v13  }
0x12b: {  	v11 =	vadd.s32 v13, v11  }
0x12c: {  	v12 =	vadd.s32 v11, v12;
	(v2sf) =	vpush v11, $0xF  }
0x12d: {  	v11 =	vld [tilespmem:s20+$0x0]  }
.Ltmp9:
0x12e: {  	(pc) =	sbr.rel @p0 .LBB2_16-.Ltmp9, $3  }
0x12f: {  	_ =	sdelay $0x1  }
0x130: {  	[tilespmem:v12+s14+$0x0] =	vst.idx.msk vm4, v10  }
0x131: {  	s20 =	sshra.s32 s21, $0x2;
	s21 =	sadd.s32 $0x40, s21;
	[tilespmem:v12+s4+$0x0] =	vst.idx.msk vm4, v11  }
0x132: {  	v10 =	vld [tilespmem:s20+$0x5000];
	_ =	sdelay $0x4  }
0x133: {  	v10 =	vsub.s32 v10, v1  }
0x134: {  	vm3 =	vlt.u32 v10, $0xA00  }
0x135: {  	v11 =	vsel vm3, $0x1, v4  }
0x136: {  	v12 =	vperm.xlane v11, v3  }
0x137: {  	vm4 =	veq.s32 v7, $0x0  }
0x138: {  	v12 =	vsel vm4, $0x0, v12  }
0x139: {  	v11 =	vadd.s32 v11, v12  }
0x13a: {  	v12 =	vperm.xlane v11, v5;
	_ =	sdelay $0x1  }
0x13b: {  	v12 =	vsel vm0, $0x0, v12  }
0x13c: {  	v11 =	vadd.s32 v12, v11  }
0x13d: {  	v12 =	vperm.xlane v11, v6;
	_ =	sdelay $0x1  }
0x13e: {  	v12 =	vsel vm1, $0x0, v12  }
0x13f: {  	v11 =	vadd.s32 v12, v11  }
0x140: {  	v12 =	vperm.xlane v11, v8;
	_ =	sdelay $0x1  }
0x141: {  	v12 =	vsel vm2, $0x0, v12  }
0x142: {  	v11 =	vadd.s32 v12, v11  }
0x143: {  	(v2sf) =	vpush v11, $0xF;
	_ =	sdelay $0xd  }
0x144: {  	s21 =	spop (v2sf)  }
0x145: {  	s19 =	sadd.s32 s19, s21;
	s28 =	spop (v2sf)  }
0x146: {  	s21 =	sadd.s32 s19, s28  }
0x147: {  	s22 =	sadd.s32 $0x7F, s21  }
0x148: {  	s23 =	sand.u32 $0x7F, s22  }
0x149: {  	s29 =	sshra.s32 s22, $0x1F;
	p1 =	slt.s32 s22, $0x1;
	p0 =	sne.s32 s23, $0x0  }
0x14a: {  	v57 =	vmov s19;
	s30 =	sshrl.u32 s29, $0x19;
	p0 =	por !p1, !p0  }
0x14b: {  	v12 =	vadd.s32 $0xFFFFFFFF, v57;
	s19 =	sadd.s32 s30, s22;
	s22 =	simm.s32 $0x1;
	p0 =	por !p0, !p0  }
0x14c: {  	v12 =	vbroadcast v12, $0x0;
	s19 =	sshra.s32 s19, $0x7;
	s22 =	simm.s32 @!p0 $0x0  }
0x14d: {  	s19 =	ssub.s32 s19, s22  }
0x14e: {  	v11 =	vadd.s32 v11, v12;
	v58 =	vadd.s32 s21, v7;
	s22 =	sshll.u32 s19, $0x7  }
0x14f: {  	v13 =	vld [tilespmem:s20+$0x0];
	s31 =	sadd.s32 $0x10, s21;
	vm8 =	vlt.s32 v58, $0x4FFF;
	vm5 =	vlt.s32 v58, s22  }
0x150: {  	v14 =	vadd.s32 s31, v7;
	v12 =	vnsel vm8, $0x4FFF, v58  }
0x151: {  	s1 =	sadd.s32 $0x20, s21;
	vm9 =	vlt.s32 v14, $0x4FFF;
	vm6 =	vlt.s32 v14, s22  }
0x152: {  	v15 =	vadd.s32 s1, v7;
	v14 =	vnsel vm9, $0x4FFF, v14  }
0x153: {  	[tilespmem:v11+s14+$0x0] =	vst.idx.msk vm3, v10;
	vm10 =	vlt.s32 v15, $0x4FFF;
	s23 =	sadd.s32 $0x30, s21;
	vm7 =	vlt.s32 v15, s22  }
0x154: {  	[tilespmem:v11+s4+$0x0] =	vst.idx.msk vm3, v13;
	v10 =	vnsel vm10, $0x4FFF, v15;
	v11 =	vadd.s32 s23, v7  }
0x155: {  	s24 =	sadd.s32 $0x40, s21;
	vm3 =	vlt.s32 v11, $0x4FFF;
	vm11 =	vlt.s32 v11, s22;
	[tilespmem:v12+s14+$0x0] =	vst.idx.msk vm5, v9  }
0x156: {  	v59 =	vadd.s32 s24, v7;
	v11 =	vnsel vm3, $0x4FFF, v11;
	[tilespmem:v12+s4+$0x0] =	vst.idx.msk vm5, v4  }
0x157: {  	s25 =	sadd.s32 $0x50, s21;
	vm3 =	vlt.s32 v59, $0x4FFF;
	vm12 =	vlt.s32 v59, s22;
	[tilespmem:v14+s14+$0x0] =	vst.idx.msk vm6, v9  }
0x158: {  	v60 =	vadd.s32 s25, v7;
	v12 =	vnsel vm3, $0x4FFF, v59;
	[tilespmem:v14+s4+$0x0] =	vst.idx.msk vm6, v4  }
0x159: {  	s26 =	sadd.s32 $0x60, s21;
	vm13 =	vlt.s32 v60, s22;
	vm3 =	vlt.s32 v60, $0x4FFF;
	[tilespmem:v10+s14+$0x0] =	vst.idx.msk vm7, v9  }
0x15a: {  	v61 =	vadd.s32 s26, v7;
	[tilespmem:v10+s4+$0x0] =	vst.idx.msk vm7, v4;
	v10 =	vnsel vm3, $0x4FFF, v60  }
0x15b: {  	s28 =	sadd.s32 $0x70, s21;
	vm14 =	vlt.s32 v61, s22;
	vm3 =	vlt.s32 v61, $0x4FFF;
	[tilespmem:v11+s14+$0x0] =	vst.idx.msk vm11, v9  }
0x15c: {  	v62 =	vadd.s32 s28, v7;
	[tilespmem:v11+s4+$0x0] =	vst.idx.msk vm11, v4;
	v11 =	vnsel vm3, $0x4FFF, v61  }
0x15d: {  	vm15 =	vlt.s32 v62, s22;
	vm3 =	vlt.s32 v62, $0x4FFF;
	[tilespmem:v12+s14+$0x0] =	vst.idx.msk vm12, v9  }
0x15e: {  	v63 =	vnsel vm3, $0x4FFF, v62;
	[tilespmem:v12+s4+$0x0] =	vst.idx.msk vm12, v4  }
0x15f: {  	[tilespmem:v10+s14+$0x0] =	vst.idx.msk vm13, v9  }
0x160: {  	[tilespmem:v10+s4+$0x0] =	vst.idx.msk vm13, v4  }
0x161: {  	[tilespmem:v11+s14+$0x0] =	vst.idx.msk vm14, v9  }
0x162: {  	[tilespmem:v11+s4+$0x0] =	vst.idx.msk vm14, v4  }
0x163: {  	[tilespmem:v63+s14+$0x0] =	vst.idx.msk vm15, v9  }
0x164: {  	[tilespmem:v63+s4+$0x0] =	vst.idx.msk vm15, v4  }
0x165: {  	[spmem:s6] =	stream.linear.scatter [tilespmem:s15], [sflag:$0x5], $0x4000, $0x38;
	[tilespmem:$0x17400] =	vst v63  }
0x166: {  	_ =	swait.ge [sflag:s13], $0x4000  }
0x167: {  	[sflag:s13] =	ssyncset.done $0x0  }
0x168: {  	[sflag:s13] =	ssyncadd.s32 $0xFFFFC000  }
0x169: {  	[spmem:s8] =	stream.linear.scatter [tilespmem:s15], [sflag:$0x5], $0x1400, $0x38;
	[tilespmem:$0x17400] =	vst v63  }
0x16a: {  	_ =	swait.ge [sflag:s13], $0x1400  }
0x16b: {  	p0 =	slt.s32 s19, $0x1;
	s29 =	sadd.s32 $0x1, s19;
	[sflag:s13] =	ssyncset.done $0x0  }
0x16c: {  	s20 =	simm.s32 @!p0 $0x80;
	s21 =	simm.s32 @!p0 $0x0;
	[sflag:s13] =	ssyncadd.s32 $0xFFFFEC00  }
0x16d: {  	s22 =	simm.s32 @!p0 $0xA000;
	p1 =	seq.s32 @!p0 s19, $0x1;
	[bflag:$0x0] =	sbarrier.arrive $0xFFFF  }
0x16e: {  	[tilespmem:s22], [sflag:$0x1] =	stream.indirect.gather @!p0 [hbm4b:s0+s20], $0x80, s21, s20, $0xb8;
	[tilespmem:$0x17400] =	vst v63  }
0x16f: {  	p5 =	slt.s32 s19, $0x0;
	s30 =	sand.u32 $0x1, s29;
	p0 =	por p1, p0  }
0x170: {  	p6 =	seq.s32 s30, $0x1;
	s20 =	simm.s32 @!p0 $0x80;
	s21 =	simm.s32 @!p0 $0xE000  }
0x171: {  	[tilespmem:s21], [sflag:$0x2] =	stream.indirect.gather @!p0 [hbm4b:s0+s20], $0x80, s20, s20, $0xb8;
	[tilespmem:$0x17400] =	vst v63  }
0x172: {  	s31 =	sshrl.u32 s29, $0x1F;
	p0 =	por !p5, !p6  }
0x173: {  	s20 =	sadd.s32 s31, s29;
	s21 =	simm.s32 $0x1;
	p0 =	por !p0, !p0  }
0x174: {  	s20 =	sshra.s32 s20, $0x1;
	s21 =	simm.s32 @!p0 $0x0  }
0x175: {  	s21 =	ssub.s32 s20, s21  }
0x176: {  	p0 =	slt.s32 s21, $0x1  }
.Ltmp10:
0x177: {  	_ = 	snop;
	(pc) =	sbr.rel @p0 .LBB2_25-.Ltmp10, $1  }
0x178: {  	_ =	sdelay $0x3  }
0x179: {  	s25 =	sadd.s32 $0xFFFFFFFF, s21  }
0x17a: {  	p1 =	sne.s32 s25, $0x0  }
.Ltmp11:
0x17b: {  	_ = 	snop;
	(pc) =	sbr.rel @!p1 .LBB2_19-.Ltmp11, $3  }
0x17c: {  	_ =	sdelay $0x1  }
0x17d: {  	s20 =	simm.s32 $0x5000;
	s24 =	simm.s32 $0x100;
	s23 =	simm.s32 $0x1  }
0x17e: {  	s21 =	simm.s32 $0x0;
	s22 =	simm.s32 $0x3;
	p0 =	por $0x0, $0x0  }
0x17f: {  	p1 =	sle.s32 s19, $0x0  }
0x180: {  	s21 =	simm.s32 @!p1 $0x1  }
0x181: {  	_ =	swait.ge @!p1 [sflag:s21], $0x4000  }
0x182: {  	p0 =	sle.s32 s19, $0x1;
	s23 =	simm.s32 @!p1 $0xA000;
	[sflag:s21] =	ssyncset.done @!p1 $0x0  }
0x183: {  	s26 =	simm.s32 @!p0 $0x2;
	[sflag:s21] =	ssyncadd.s32 @!p1 $0xFFFFC000;
	s21 =	simm.s32 @!p1 $0x80  }
0x184: {  	[spmem:s2] =	stream.indirect.scatter.add.f32 @!p1 [tilespmem:s23], [sflag:$0x3], $0x80, s20, s21, $0xb8;
	[tilespmem:$0x17400] =	vst v63  }
0x185: {  	p2 =	sle.s32 @!p1 s19, $0x2;
	_ =	swait.ge @!p0 [sflag:s26], $0x4000  }
0x186: {  	s28 =	simm.s32 @!p1 $0x3;
	s20 =	simm.s32 @!p0 $0x80;
	[sflag:s26] =	ssyncset.done @!p0 $0x0  }
0x187: {  	s23 =	simm.s32 @!p0 $0xE000;
	[sflag:s26] =	ssyncadd.s32 @!p0 $0xFFFFC000;
	s26 =	simm.s32 @!p0 $0x5080  }
0x188: {  	[spmem:s2] =	stream.indirect.scatter.add.f32 @!p0 [tilespmem:s23], [sflag:$0x4], $0x80, s26, s20, $0xb8;
	[tilespmem:$0x17400] =	vst v63  }
0x189: {  	p3 =	por p2, p1;
	_ =	swait.ge @!p1 [sflag:s28], $0x4000  }
0x18a: {  	s23 =	sadd.s32 $0xFFFFFFFF, s25;
	s20 =	simm.s32 @!p3 $0xA000;
	[sflag:s28] =	ssyncset.done @!p1 $0x0  }
0x18b: {  	s25 =	simm.s32 @!p3 $0x80;
	p2 =	sne.s32 s23, $0x0;
	[sflag:s28] =	ssyncadd.s32 @!p1 $0xFFFFC000  }
0x18c: {  	[tilespmem:s20], [sflag:$0x1] =	stream.indirect.gather @!p3 [hbm4b:s0+s25], $0x80, s24, s25, $0xb8;
	[tilespmem:$0x17400] =	vst v63  }
.Ltmp12:
0x18d: {  	s29 =	simm.s32 @!p0 $0x4;
	p1 =	sle.s32 @!p0 s19, $0x3;
	(pc) =	sbr.rel @!p2 .LBB2_21-.Ltmp12, $4  }
0x18e: {  	s21 =	simm.s32 $0x2;
	s24 =	simm.s32 $0x200;
	p3 =	por p1, p0  }
0x18f: {  	s20 =	simm.s32 $0x5100;
	s25 =	simm.s32 $0x5;
	_ =	swait.ge @!p0 [sflag:s29], $0x4000  }
0x190: {  	s26 =	simm.s32 @!p3 $0xE000;
	s28 =	simm.s32 @!p3 $0x180;
	[sflag:s29] =	ssyncset.done @!p0 $0x0  }
0x191: {  	[sflag:s29] =	ssyncadd.s32 @!p0 $0xFFFFC000;
	s29 =	simm.s32 @!p3 $0x80;
	p0 =	por $0x1, $0x1  }
.LBB2_22:
0x192: {  	[tilespmem:s26], [sflag:$0x2] =	stream.indirect.gather @!p3 [hbm4b:s0+s29], $0x80, s28, s29, $0xb8;
	[tilespmem:$0x17400] =	vst v63  }
0x193: {  	s28 =	smov.u32 s24  }
0x194: {  	s23 =	sadd.s32 $0xFFFFFFFF, s23;
	p3 =	sge.s32 s21, s19;
	s21 =	sadd.s32 $0xFFFFFFFF, s25  }
0x195: {  	p1 =	sne.s32 s23, $0x0;
	s26 =	simm.s32 @!p3 $0x1;
	s29 =	sadd.s32 @!p3 $0x1, s22  }
0x196: {  	s30 =	simm.s32 @!p3 $0xA000;
	p4 =	sge.s32 @!p3 s29, s19;
	_ =	swait.ge @!p3 [sflag:s26], $0x4000  }
0x197: {  	p2 =	sge.s32 s22, s19;
	p4 =	por p4, p3;
	[sflag:s26] =	ssyncset.done @!p3 $0x0  }
0x198: {  	s29 =	simm.s32 @!p2 $0x2;
	[sflag:s26] =	ssyncadd.s32 @!p3 $0xFFFFC000;
	s26 =	simm.s32 @!p3 $0x80  }
0x199: {  	[spmem:s2] =	stream.indirect.scatter.add.f32 @!p3 [tilespmem:s30], [sflag:$0x3], $0x80, s20, s26, $0xb8;
	[tilespmem:$0x17400] =	vst v63  }
0x19a: {  	s26 =	sadd.s32 @!p2 $0x2, s22;
	s22 =	smov.u32 s25;
	_ =	swait.ge @!p2 [sflag:s29], $0x4000  }
0x19b: {  	s31 =	simm.s32 @!p2 $0xE000;
	s30 =	simm.s32 @!p2 $0x80;
	[sflag:s29] =	ssyncset.done @!p2 $0x0  }
0x19c: {  	s1 =	simm.s32 @!p3 $0x3;
	[sflag:s29] =	ssyncadd.s32 @!p2 $0xFFFFC000;
	s29 =	sadd.s32 @!p2 $0x80, s20  }
0x19d: {  	[spmem:s2] =	stream.indirect.scatter.add.f32 @!p2 [tilespmem:s31], [sflag:$0x4], $0x80, s29, s30, $0xb8;
	[tilespmem:$0x17400] =	vst v63  }
0x19e: {  	s24 =	sadd.s32 $0x100, s24;
	p5 =	sge.s32 @!p2 s26, s19;
	_ =	swait.ge @!p3 [sflag:s1], $0x4000  }
0x19f: {  	s26 =	simm.s32 @!p4 $0xA000;
	s29 =	simm.s32 @!p2 $0x4;
	[sflag:s1] =	ssyncset.done @!p3 $0x0  }
.Ltmp13:
0x1a0: {  	[sflag:s1] =	ssyncadd.s32 @!p3 $0xFFFFC000;
	s1 =	simm.s32 @!p4 $0x80;
	(pc) =	sbr.rel @p1 .LBB2_22-.Ltmp13, $4  }
0x1a1: {  	[tilespmem:s26], [sflag:$0x1] =	stream.indirect.gather @!p4 [hbm4b:s0+s1], $0x80, s28, s1, $0xb8;
	[tilespmem:$0x17400] =	vst v63  }
0x1a2: {  	s20 =	sadd.s32 $0x100, s20;
	p3 =	por p5, p2;
	_ =	swait.ge @!p2 [sflag:s29], $0x4000  }
0x1a3: {  	s25 =	sadd.s32 $0x2, s25;
	s26 =	simm.s32 @!p3 $0xE000;
	[sflag:s29] =	ssyncset.done @!p2 $0x0  }
0x1a4: {  	s28 =	sadd.s32 @!p3 $0x80, s28;
	[sflag:s29] =	ssyncadd.s32 @!p2 $0xFFFFC000;
	s29 =	simm.s32 @!p3 $0x80  }
.Ltmp14:
0x1a5: {  	(pc) =	sbr.rel .LBB2_24-.Ltmp14, $2  }
0x1a6: {  	_ =	sdelay $0x2  }
0x1a7: {  	s23 =	smov.u32 s22  }
.LBB2_7:
.Ltmp15:
0x1a8: {  	(pc) =	sbr.rel .LBB2_12-.Ltmp15, $2  }
0x1a9: {  	_ =	sdelay $0x2  }
0x1aa: {  	_ = 	snop  }
.LBB2_9:
.Ltmp16:
0x1ab: {  	(pc) =	sbr.rel .LBB2_12-.Ltmp16, $2  }
0x1ac: {  	_ =	sdelay $0x2  }
0x1ad: {  	s22 =	simm.s32 $0x200;
	s21 =	simm.s32 $0x3  }
.LBB2_21:
.Ltmp17:
0x1ae: {  	(pc) =	sbr.rel .LBB2_24-.Ltmp17, $2  }
0x1af: {  	_ =	sdelay $0x2  }
0x1b0: {  	s24 =	simm.s32 $0x200;
	s23 =	simm.s32 $0x3  }
.LBB2_26:
0x1b1: {  	_ =	sfence.sel $0x180000  }
0x1b2: {  	[bflag:$0x0] =	sbarrier.arrive $0xFFFF  }
0x1b3: {  	_ =	strace $0x90000047  }
0x1b4: {  	[bflag:$0x2] =	sbarrier.arrive $0xFFFF  }
0x1b5: {  	p0 =	sne.s32 s3, $0x0;
	s0 =	rddreg [dreg:$0x4]  }
0x1b6: {  	s0 =	sadd.s32 @!p0 $0x100000, s0  }
0x1b7: {  	[sflag:s0] =	ssyncadd.tile.s32 @!p0 $0x1;
	_ =	shalt  }
.Lfunc_end2:
_tile_overlayer_lowered:
.L_overlay_start_2:
0x1b8: {  	(tag) =	ssettag $0x2  }
0x1b9: {  	s0 =	rddreg [dreg:$0x0];
	s2 =	stileid.u32  }
0x1ba: {  	s1 =	rddreg [dreg:$0x1];
	p0 =	sne.s32 s2, $0x0  }
0x1bb: {  	s3 =	rddreg [dreg:$0x2];
	[bflag:$0x3] =	sbarrier.arrive $0xFFFF;
	s2 =	simm.s32 @!p0 $0x1C05  }
0x1bc: {  	[timem:s3], [sflag:s2] =	dma.local @!p0 [hbm:s0], s1  }
0x1bd: {  	s0 =	simm.s32 @!p0 $0x5  }
0x1be: {  	_ =	swait.ge @!p0 [sflag:s0], s1  }
0x1bf: {  	s1 =	ssub.s32 @!p0 $0x0, s1;
	[sflag:s0] =	ssyncset.done @!p0 $0x0  }
0x1c0: {  	[sflag:s0] =	ssyncadd.s32 @!p0 s1  }
0x1c1: {  	[bflag:$0x3] =	sbarrier.arrive $0xFFFF  }
0x1c2: {  	_ =	shalt  }

</sc_bundles>
